<compile_context>
chip_gen: v7x
topology: tpu7x:2x2x1
jax: 0.10.2.dev20260603
libtpu: 0.0.44.dev20260713+nightly
codegen_flags: <defaults>
</compile_context>

<pallas_src>
import functools

import jax
import jax.numpy as jnp
from jax import lax
from jax.experimental import pallas as pl
from jax.experimental.pallas import tpu as pltpu
from jax.experimental.pallas import tpu_sc as plsc

N_OBJ = 1024
NUM_OBJ = 151
NUM_OBJ_PAD = 256
NUM_REL = 51
NUM_REL_PAD = 64
VAL_PAD = 128
D = 128
KG = 100000
BLK = 128
NB = 784
KG_PAD = NB * BLK
NB_PAD = 896
KB = 512
GSUB = KB // BLK
NSTEP = KG_PAD // KB
TOPK = 32
NEG = -1e30


def _prelude_body(l_ref, e_ref, i_ref, q_ref):
    lv = l_ref[...]
    m = jnp.max(lv, axis=1, keepdims=True)
    ex = jnp.exp(lv - m)
    p = ex / jnp.sum(ex, axis=1, keepdims=True)
    f = jnp.dot(p, e_ref[...], preferred_element_type=jnp.float32)
    ii = i_ref[...]
    col = lax.broadcasted_iota(jnp.int32, (N_OBJ, N_OBJ), 1)
    oh0 = jnp.where(col == ii[:, 0:1], 1.0, 0.0)
    oh1 = jnp.where(col == ii[:, 1:2], 1.0, 0.0)
    h = jnp.dot(oh0, f, preferred_element_type=jnp.float32,
                precision=lax.Precision.HIGHEST)
    t = jnp.dot(oh1, f, preferred_element_type=jnp.float32,
                precision=lax.Precision.HIGHEST)
    q = h * t
    nrm = jnp.sqrt(jnp.sum(q * q, axis=1, keepdims=True))
    q_ref[...] = q / (nrm + 1e-6)


def _prelude(logits_pad, embed_pad, idx):
    return pl.pallas_call(
        _prelude_body,
        out_shape=jax.ShapeDtypeStruct((N_OBJ, D), jnp.float32),
    )(logits_pad, embed_pad, idx)


def _sims_body(q_ref, k_ref, s_ref, m_ref):
    j = pl.program_id(0)
    s = lax.dot_general(q_ref[...], k_ref[...], (((1,), (1,)), ((), ())),
                        preferred_element_type=jnp.float32)
    cg = j * KB + lax.broadcasted_iota(jnp.int32, (1, KB), 1)
    s = jnp.where(cg < KG, s, NEG)
    s_ref[...] = s
    parts = [jnp.max(s[:, g * BLK:(g + 1) * BLK], axis=1, keepdims=True)
             for g in range(GSUB)]
    m_ref[0] = jnp.concatenate(parts, axis=1)


def _sims_and_blockmax(qn, keys_pad):
    return pl.pallas_call(
        _sims_body,
        grid=(NSTEP,),
        in_specs=[
            pl.BlockSpec((N_OBJ, D), lambda j: (0, 0)),
            pl.BlockSpec((KB, D), lambda j: (j, 0)),
        ],
        out_specs=[
            pl.BlockSpec((N_OBJ, KB), lambda j: (0, j)),
            pl.BlockSpec((1, N_OBJ, GSUB), lambda j: (j, 0, 0)),
        ],
        out_shape=[
            jax.ShapeDtypeStruct((N_OBJ, KG_PAD), jnp.float32),
            jax.ShapeDtypeStruct((NSTEP, N_OBJ, GSUB), jnp.float32),
        ],
    )(qn, keys_pad)


def _select_body(m_ref, bi_ref, bv_ref):
    a0 = m_ref[...]
    col = lax.broadcasted_iota(jnp.int32, (N_OBJ, NB_PAD), 1)
    k32 = lax.broadcasted_iota(jnp.int32, (N_OBJ, TOPK), 1)

    def body(k, carry):
        a, bi, bv = carry
        m = jnp.max(a, axis=1)
        am = jnp.min(jnp.where(a == m[:, None], col, 2**30), axis=1)
        bi = jnp.where(k32 == k, am[:, None], bi)
        bv = jnp.where(k32 == k, m[:, None], bv)
        a = jnp.where(col == am[:, None], -3e38, a)
        return (a, bi, bv)

    _, bi, bv = lax.fori_loop(
        0, TOPK, body,
        (a0, jnp.zeros((N_OBJ, TOPK), jnp.int32),
         jnp.zeros((N_OBJ, TOPK), jnp.float32)))
    bi_ref[...] = bi
    bv_ref[...] = bv


def _select_blocks(m_pad):
    return pl.pallas_call(
        _select_body,
        out_shape=[
            jax.ShapeDtypeStruct((N_OBJ, TOPK), jnp.int32),
            jax.ShapeDtypeStruct((N_OBJ, TOPK), jnp.float32),
        ],
    )(m_pad)


ROWS_PER_W = 32


def _splat_i(x):
    return jnp.full((16,), x, jnp.int32)


def _sc_body(sims_ref, bi_ref, bv_ref, vals_ref, out_ref,
             blk_v, sel_v, gid0, gid1, simsb0, simsb1, selrow, topv, topi,
             valsv, outrow, sem0, sem1, semv):
    wid = lax.axis_index("s") * 2 + lax.axis_index("c")
    base = wid * ROWS_PER_W
    pltpu.sync_copy(bi_ref.at[pl.ds(base, ROWS_PER_W)], blk_v)
    pltpu.sync_copy(bv_ref.at[pl.ds(base, ROWS_PER_W)], sel_v)
    lane = lax.broadcasted_iota(jnp.int32, (16,), 0)

    def start_gather(r, gid_v, simsb, sem):
        rsp = _splat_i(r)
        for c in range(2):
            b = plsc.load_gather(blk_v, [rsp, lane + (c * 16)])
            gid_v[pl.ds(c * 16, 16)] = b + (base + r) * NB
        pltpu.async_copy(sims_ref.at[gid_v], simsb, sem)

    start_gather(0, gid0, simsb0, sem0)
    start_gather(1, gid1, simsb1, sem1)

    def process_row(r, gid_v, simsb, sem):
        row = base + r
        rsp = _splat_i(r)
        pltpu.make_async_copy(sims_ref.at[gid_v], simsb, sem).wait()
        for c in range(2):
            selrow[pl.ds(c * 16, 16)] = plsc.load_gather(
                sel_v, [rsp, lane + (c * 16)])

        def sel_body(k, _):
            b0 = selrow[pl.ds(0, 16)]
            b1 = selrow[pl.ds(16, 16)]
            m = jnp.max(jnp.maximum(b0, b1))
            c0 = jnp.min(plsc.all_reduce_ffs(b0 == m))
            c1 = jnp.min(plsc.all_reduce_ffs(b1 == m))
            sstar = jnp.where(c0 < 16, c0, c1 + 16)
            ssp = _splat_i(sstar)
            pos = jnp.int32(1 << 20)
            for c in range(8):
                v = plsc.load_gather(simsb, [ssp, lane + (c * 16)])
                f = jnp.min(plsc.all_reduce_ffs(v == m))
                pos = jnp.minimum(pos,
                                  jnp.where(f < 16, c * 16 + f, 1 << 20))
            mask0 = lane == 0
            plsc.store_scatter(topv, [_splat_i(k)],
                               jnp.full((16,), m, jnp.float32), mask=mask0)
            blkid = jnp.max(plsc.load_gather(blk_v, [rsp, ssp]))
            plsc.store_scatter(topi, [_splat_i(k)],
                               _splat_i(blkid * BLK + pos), mask=mask0)
            plsc.store_scatter(simsb, [ssp, _splat_i(pos)],
                               jnp.full((16,), NEG, jnp.float32), mask=mask0)
            nm = jnp.full((16,), -3e38, jnp.float32)
            for c in range(8):
                nm = jnp.maximum(
                    nm, plsc.load_gather(simsb, [ssp, lane + (c * 16)]))
            plsc.store_scatter(selrow, [ssp],
                               jnp.full((16,), jnp.max(nm), jnp.float32),
                               mask=mask0)
            return 0

        lax.fori_loop(0, TOPK, sel_body, 0)

        t0 = topv[pl.ds(0, 16)]
        t1 = topv[pl.ds(16, 16)]
        m1 = jnp.max(jnp.maximum(t0, t1))
        w0 = jnp.exp((t0 - m1) * 10.0)
        w1 = jnp.exp((t1 - m1) * 10.0)
        ssum = jnp.full((16,), jnp.sum(w0) + jnp.sum(w1), jnp.float32)
        topv[pl.ds(0, 16)] = w0 / ssum
        topv[pl.ds(16, 16)] = w1 / ssum

        pltpu.async_copy(vals_ref.at[topi], valsv, semv).wait()
        for c in range(4):
            outrow[pl.ds(c * 16, 16)] = jnp.zeros((16,), jnp.float32)

        def acc_body(k, _):
            ksp = _splat_i(k)
            wk = jnp.max(plsc.load_gather(topv, [ksp]))
            for c in range(4):
                v = plsc.load_gather(valsv, [ksp, lane + (c * 16)])
                outrow[pl.ds(c * 16, 16)] = outrow[pl.ds(c * 16, 16)] + v * wk
            return 0

        lax.fori_loop(0, TOPK, acc_body, 0)
        pltpu.sync_copy(outrow, out_ref.at[row])

    def pair_body(i, _):
        r0 = 2 * i
        process_row(r0, gid0, simsb0, sem0)

        @pl.when(r0 + 2 < ROWS_PER_W)
        def _():
            start_gather(r0 + 2, gid0, simsb0, sem0)

        process_row(r0 + 1, gid1, simsb1, sem1)

        @pl.when(r0 + 3 < ROWS_PER_W)
        def _():
            start_gather(r0 + 3, gid1, simsb1, sem1)

        return 0

    lax.fori_loop(0, ROWS_PER_W // 2, pair_body, 0)


def _sc_combine(sims_flat, bidx, bval, vals_pad):
    mesh = plsc.VectorSubcoreMesh(core_axis_name="c", subcore_axis_name="s")
    fn = functools.partial(
        pl.kernel, mesh=mesh,
        compiler_params=pltpu.CompilerParams(needs_layout_passes=False),
        out_type=jax.ShapeDtypeStruct((N_OBJ, NUM_REL_PAD), jnp.float32),
        scratch_types=[
            pltpu.VMEM((ROWS_PER_W, TOPK), jnp.int32),
            pltpu.VMEM((ROWS_PER_W, TOPK), jnp.float32),
            pltpu.VMEM((TOPK,), jnp.int32),
            pltpu.VMEM((TOPK,), jnp.int32),
            pltpu.VMEM((TOPK, BLK), jnp.float32),
            pltpu.VMEM((TOPK, BLK), jnp.float32),
            pltpu.VMEM((TOPK,), jnp.float32),
            pltpu.VMEM((TOPK,), jnp.float32),
            pltpu.VMEM((TOPK,), jnp.int32),
            pltpu.VMEM((TOPK, VAL_PAD), jnp.float32),
            pltpu.VMEM((NUM_REL_PAD,), jnp.float32),
            pltpu.SemaphoreType.DMA,
            pltpu.SemaphoreType.DMA,
            pltpu.SemaphoreType.DMA,
        ],
    )(_sc_body)
    return fn(sims_flat, bidx, bval, vals_pad)


def kernel(obj_logits, rel_pair_idxs, obj_embed, kg_keys, kg_vals):
    logits_pad = jnp.pad(obj_logits, ((0, 0), (0, NUM_OBJ_PAD - NUM_OBJ)),
                         constant_values=NEG)
    embed_pad = jnp.pad(obj_embed, ((0, NUM_OBJ_PAD - NUM_OBJ), (0, 0)))
    idx = rel_pair_idxs.astype(jnp.int32)
    keys_n = kg_keys / (jnp.linalg.norm(kg_keys, axis=-1, keepdims=True) + 1e-6)
    keys_pad = jnp.pad(keys_n, ((0, KG_PAD - KG), (0, 0)))
    vals_pad = jnp.pad(kg_vals, ((0, KG_PAD - KG), (0, VAL_PAD - NUM_REL)))

    qn = _prelude(logits_pad, embed_pad, idx)
    sims, m3 = _sims_and_blockmax(qn, keys_pad)
    m = m3.transpose(1, 0, 2).reshape(N_OBJ, NB)
    m_pad = jnp.pad(m, ((0, 0), (0, NB_PAD - NB)), constant_values=-3e38)
    bidx, bval = _select_blocks(m_pad)
    out64 = _sc_combine(sims.reshape(N_OBJ * NB, BLK), bidx, bval, vals_pad)
    return out64[:, :NUM_REL]

# --- scband reference (transcript-rebuilt; emitter-appended) ---
"""Pipeline reference for scband-kgcontext-predictor-39625368273221 (READ-ONLY COPY).

The authoritative reference and input builder live on the scoring server;
editing this copy changes nothing except your own understanding.
"""

import jax, jax.numpy as jnp
import numpy as np

NUM_OBJ = 151
NUM_REL = 51
KG = 100000
D = 128
TOPK = 32
N_OBJ = 1024
N_PAIR = 1024


def setup_inputs(seed: int = 0) -> dict:
    key = jax.random.key(seed)
    k1, k2, k3, k4, k5 = jax.random.split(key, 5)
    obj_logits = jax.random.normal(k1, (N_OBJ, NUM_OBJ), dtype=jnp.float32)
    rel_pair_idxs = jax.random.randint(k2, (N_PAIR, 2), 0, N_OBJ, dtype=jnp.int64)
    obj_embed = jax.random.normal(k3, (NUM_OBJ, D), dtype=jnp.float32) * 0.02
    kg_keys = jax.random.normal(k4, (KG, D), dtype=jnp.float32)
    kg_vals = jax.random.normal(k5, (KG, NUM_REL), dtype=jnp.float32)
    return {
        "obj_logits": obj_logits,
        "rel_pair_idxs": rel_pair_idxs,
        "obj_embed": obj_embed,
        "kg_keys": kg_keys,
        "kg_vals": kg_vals,
    }


def reference(obj_logits, rel_pair_idxs, obj_embed, kg_keys, kg_vals):
    # object label distribution (softmax over predicted logits), as in forward()
    obj_dists = jax.nn.softmax(obj_logits, axis=-1)
    # soft entity embedding: expected KG embedding under the label distribution
    obj_feats = obj_dists @ obj_embed  # [N_OBJ, D]
    # head/tail gather per relation pair (pair_id lookup in get_kg_rel_dists)
    h = jnp.take(obj_feats, rel_pair_idxs[:, 0], axis=0)  # [P, D]
    t = jnp.take(obj_feats, rel_pair_idxs[:, 1], axis=0)  # [P, D]
    # (head, tail) context query, analogous to ht2vec keying
    q = h * t
    q = q / (jnp.linalg.norm(q, axis=-1, keepdims=True) + 1e-6)
    keys_n = kg_keys / (jnp.linalg.norm(kg_keys, axis=-1, keepdims=True) + 1e-6)
    # retrieval over the KG prior table (the ht2vec dictionary scan in
    # infer_new_rel_pair_using_kg, vectorized as a kNN over key embeddings)
    sims = q @ keys_n.T  # [P, KG]
    top_v, top_i = jax.lax.top_k(sims, TOPK)  # [P, TOPK]
    w = jax.nn.softmax(top_v * 10.0, axis=-1)
    gathered = jnp.take(kg_vals, top_i, axis=0)  # [P, TOPK, NUM_REL]
    # averaged prior relation distribution over matched (head, tail) entries
    rel_dists = jnp.einsum("pk,pkc->pc", w, gathered)  # [P, NUM_REL]
    return rel_dists

if __name__ == "__main__":
    import jax
    _d = setup_inputs()
    print(jax.jit(kernel)(*tuple(_d.values())))

</pallas_src>

<mosaic_0001>
#map = affine_map<(d0, d1) -> (0, 0)>
module attributes {stable_mosaic.version = 14 : i64} {
  func.func @_sc_body(%arg0: i32, %arg1: i32, %arg2: memref<802816x128xf32, #tpu.memory_space<hbm>>, %arg3: memref<1024x32xi32, #tpu.memory_space<hbm>>, %arg4: memref<1024x32xf32, #tpu.memory_space<hbm>>, %arg5: memref<100352x128xf32, #tpu.memory_space<hbm>>, %arg6: memref<1024x64xf32, #tpu.memory_space<hbm>>, %arg7: memref<32x32xi32, #tpu.memory_space<vmem>>, %arg8: memref<32x32xf32, #tpu.memory_space<vmem>>, %arg9: memref<32xi32, #tpu.memory_space<vmem>>, %arg10: memref<32xi32, #tpu.memory_space<vmem>>, %arg11: memref<32x128xf32, #tpu.memory_space<vmem>>, %arg12: memref<32x128xf32, #tpu.memory_space<vmem>>, %arg13: memref<32xf32, #tpu.memory_space<vmem>>, %arg14: memref<32xf32, #tpu.memory_space<vmem>>, %arg15: memref<32xi32, #tpu.memory_space<vmem>>, %arg16: memref<32x128xf32, #tpu.memory_space<vmem>>, %arg17: memref<64xf32, #tpu.memory_space<vmem>>, %arg18: memref<!tpu.dma_semaphore, #tpu.memory_space<semaphore_mem>>, %arg19: memref<!tpu.dma_semaphore, #tpu.memory_space<semaphore_mem>>, %arg20: memref<!tpu.dma_semaphore, #tpu.memory_space<semaphore_mem>>) attributes {dimension_semantics = [#tpu.dimension_semantics<core_parallel>, #tpu.dimension_semantics<subcore_parallel>], iteration_bounds = array<i64: 2, 16>, scalar_prefetch = 0 : i64, scratch_operands = 14 : i64, tpu.core_type = #tpu.core_type<sc_vector_subcore>, window_params = [{transform_indices = #map}, {transform_indices = #map}, {transform_indices = #map}, {transform_indices = #map}, {transform_indices = #map}]} {
    %mul3A = arith.constant 2 : i32
    %mul3A_0 = arith.muli %arg1, %mul3A : i32
    %add3A = arith.addi %mul3A_0, %arg0 : i32
    %mul3A_1 = arith.constant 32 : i32
    %mul3A_2 = arith.muli %add3A, %mul3A_1 : i32
    "tpu.region"() ({
      %run_scoped3A = tpu.sem_alloc : memref<!tpu.dma_semaphore, #tpu.memory_space<semaphore_mem>>
      %dma_start3A_63 = arith.constant 0 : i32
      %dma_start3A_64 = tpu.memref_slice %arg3[%mul3A_2, %dma_start3A_63] : memref<1024x32xi32, #tpu.memory_space<hbm>> -> memref<32x32xi32, #tpu.memory_space<hbm>>
      %dma_start3A_65 = arith.constant 0 : i32
      %dma_start3A_66 = tpu.memref_slice %arg3[%mul3A_2, %dma_start3A_65] : memref<1024x32xi32, #tpu.memory_space<hbm>> -> memref<32x32xi32, #tpu.memory_space<hbm>>
      tpu.enqueue_dma source(%dma_start3A_66 : memref<32x32xi32, #tpu.memory_space<hbm>>) target(%arg7 : memref<32x32xi32, #tpu.memory_space<vmem>>) target_semaphore(%run_scoped3A : memref<!tpu.dma_semaphore, #tpu.memory_space<semaphore_mem>>)
      %dma_wait3A = arith.constant 0 : i32
      %dma_wait3A_67 = tpu.memref_slice %arg3[%mul3A_2, %dma_wait3A] : memref<1024x32xi32, #tpu.memory_space<hbm>> -> memref<32x32xi32, #tpu.memory_space<hbm>>
      %dma_wait3A_68 = arith.constant 0 : i32
      %dma_wait3A_69 = tpu.memref_slice %arg3[%mul3A_2, %dma_wait3A_68] : memref<1024x32xi32, #tpu.memory_space<hbm>> -> memref<32x32xi32, #tpu.memory_space<hbm>>
      tpu.wait_dma2 semaphore(%run_scoped3A : memref<!tpu.dma_semaphore, #tpu.memory_space<semaphore_mem>>) src(%dma_wait3A_69 : memref<32x32xi32, #tpu.memory_space<hbm>>) dst(%arg7 : memref<32x32xi32, #tpu.memory_space<vmem>>)
      tpu.yield
    }) : () -> ()
    "tpu.region"() ({
      %run_scoped3A = tpu.sem_alloc : memref<!tpu.dma_semaphore, #tpu.memory_space<semaphore_mem>>
      %dma_start3A_63 = arith.constant 0 : i32
      %dma_start3A_64 = tpu.memref_slice %arg4[%mul3A_2, %dma_start3A_63] : memref<1024x32xf32, #tpu.memory_space<hbm>> -> memref<32x32xf32, #tpu.memory_space<hbm>>
      %dma_start3A_65 = arith.constant 0 : i32
      %dma_start3A_66 = tpu.memref_slice %arg4[%mul3A_2, %dma_start3A_65] : memref<1024x32xf32, #tpu.memory_space<hbm>> -> memref<32x32xf32, #tpu.memory_space<hbm>>
      tpu.enqueue_dma source(%dma_start3A_66 : memref<32x32xf32, #tpu.memory_space<hbm>>) target(%arg8 : memref<32x32xf32, #tpu.memory_space<vmem>>) target_semaphore(%run_scoped3A : memref<!tpu.dma_semaphore, #tpu.memory_space<semaphore_mem>>)
      %dma_wait3A = arith.constant 0 : i32
      %dma_wait3A_67 = tpu.memref_slice %arg4[%mul3A_2, %dma_wait3A] : memref<1024x32xf32, #tpu.memory_space<hbm>> -> memref<32x32xf32, #tpu.memory_space<hbm>>
      %dma_wait3A_68 = arith.constant 0 : i32
      %dma_wait3A_69 = tpu.memref_slice %arg4[%mul3A_2, %dma_wait3A_68] : memref<1024x32xf32, #tpu.memory_space<hbm>> -> memref<32x32xf32, #tpu.memory_space<hbm>>
      tpu.wait_dma2 semaphore(%run_scoped3A : memref<!tpu.dma_semaphore, #tpu.memory_space<semaphore_mem>>) src(%dma_wait3A_69 : memref<32x32xf32, #tpu.memory_space<hbm>>) dst(%arg8 : memref<32x32xf32, #tpu.memory_space<vmem>>)
      tpu.yield
    }) : () -> ()
    %iota3A = tpu.iota {dimensions = array<i32: 0>} : vector<16xi32>
    %broadcast_in_dim3A = arith.constant 0 : i32
    %broadcast_in_dim3A_3 = vector.broadcast %broadcast_in_dim3A : i32 to vector<16xi32>
    %add3A_4 = arith.constant 0 : i32
    %add3A_5 = vector.broadcast %add3A_4 : i32 to vector<16xi32>
    %add3A_6 = arith.addi %iota3A, %add3A_5 : vector<16xi32>
    %gather3A = tpu.vector_load_idx %arg7[%broadcast_in_dim3A_3, %add3A_6] : memref<32x32xi32, #tpu.memory_space<vmem>>[vector<16xi32>, vector<16xi32>], vector<16xi32>,
    %add3A_7 = arith.constant 0 : i32
    %add3A_8 = arith.addi %mul3A_2, %add3A_7 : i32
    %mul3A_9 = arith.constant 784 : i32
    %mul3A_10 = arith.muli %add3A_8, %mul3A_9 : i32
    %add3A_11 = vector.broadcast %mul3A_10 : i32 to vector<16xi32>
    %add3A_12 = arith.addi %gather3A, %add3A_11 : vector<16xi32>
    %swap3A = arith.constant 0 : index
    %swap3A_13 = tpu.vector_load %arg9[%swap3A] {strides = array<i32>} : memref<32xi32, #tpu.memory_space<vmem>>, vector<16xi32>,
    tpu.vector_store %arg9[%swap3A], %add3A_12 {strides = array<i32>} : memref<32xi32, #tpu.memory_space<vmem>>, vector<16xi32>,
    %add3A_14 = arith.constant 16 : i32
    %add3A_15 = vector.broadcast %add3A_14 : i32 to vector<16xi32>
    %add3A_16 = arith.addi %iota3A, %add3A_15 : vector<16xi32>
    %gather3A_17 = tpu.vector_load_idx %arg7[%broadcast_in_dim3A_3, %add3A_16] : memref<32x32xi32, #tpu.memory_space<vmem>>[vector<16xi32>, vector<16xi32>], vector<16xi32>,
    %add3A_18 = arith.constant 0 : i32
    %add3A_19 = arith.addi %mul3A_2, %add3A_18 : i32
    %mul3A_20 = arith.constant 784 : i32
    %mul3A_21 = arith.muli %add3A_19, %mul3A_20 : i32
    %add3A_22 = vector.broadcast %mul3A_21 : i32 to vector<16xi32>
    %add3A_23 = arith.addi %gather3A_17, %add3A_22 : vector<16xi32>
    %swap3A_24 = arith.constant 16 : index
    %swap3A_25 = tpu.vector_load %arg9[%swap3A_24] {strides = array<i32>} : memref<32xi32, #tpu.memory_space<vmem>>, vector<16xi32>,
    tpu.vector_store %arg9[%swap3A_24], %add3A_23 {strides = array<i32>} : memref<32xi32, #tpu.memory_space<vmem>>, vector<16xi32>,
    %dma_start3A = arith.constant 0 : i32
    %dma_start3A_26 = arith.constant 0 : i32
    %dma_start3A_27 = tpu.memref_slice %arg2[%dma_start3A, %dma_start3A_26] : memref<802816x128xf32, #tpu.memory_space<hbm>> -> memref<802816x128xf32, #tpu.memory_space<hbm>>
    tpu.enqueue_indirect_dma source(%dma_start3A_27 : memref<802816x128xf32, #tpu.memory_space<hbm>>) target(%arg11 : memref<32x128xf32, #tpu.memory_space<vmem>>) offsets(%arg9 : memref<32xi32, #tpu.memory_space<vmem>>) semaphore(%arg18 : memref<!tpu.dma_semaphore, #tpu.memory_space<semaphore_mem>>)
    %broadcast_in_dim3A_28 = arith.constant 1 : i32
    %broadcast_in_dim3A_29 = vector.broadcast %broadcast_in_dim3A_28 : i32 to vector<16xi32>
    %add3A_30 = arith.constant 0 : i32
    %add3A_31 = vector.broadcast %add3A_30 : i32 to vector<16xi32>
    %add3A_32 = arith.addi %iota3A, %add3A_31 : vector<16xi32>
    %gather3A_33 = tpu.vector_load_idx %arg7[%broadcast_in_dim3A_29, %add3A_32] : memref<32x32xi32, #tpu.memory_space<vmem>>[vector<16xi32>, vector<16xi32>], vector<16xi32>,
    %add3A_34 = arith.constant 1 : i32
    %add3A_35 = arith.addi %mul3A_2, %add3A_34 : i32
    %mul3A_36 = arith.constant 784 : i32
    %mul3A_37 = arith.muli %add3A_35, %mul3A_36 : i32
    %add3A_38 = vector.broadcast %mul3A_37 : i32 to vector<16xi32>
    %add3A_39 = arith.addi %gather3A_33, %add3A_38 : vector<16xi32>
    %swap3A_40 = arith.constant 0 : index
    %swap3A_41 = tpu.vector_load %arg10[%swap3A_40] {strides = array<i32>} : memref<32xi32, #tpu.memory_space<vmem>>, vector<16xi32>,
    tpu.vector_store %arg10[%swap3A_40], %add3A_39 {strides = array<i32>} : memref<32xi32, #tpu.memory_space<vmem>>, vector<16xi32>,
    %add3A_42 = arith.constant 16 : i32
    %add3A_43 = vector.broadcast %add3A_42 : i32 to vector<16xi32>
    %add3A_44 = arith.addi %iota3A, %add3A_43 : vector<16xi32>
    %gather3A_45 = tpu.vector_load_idx %arg7[%broadcast_in_dim3A_29, %add3A_44] : memref<32x32xi32, #tpu.memory_space<vmem>>[vector<16xi32>, vector<16xi32>], vector<16xi32>,
    %add3A_46 = arith.constant 1 : i32
    %add3A_47 = arith.addi %mul3A_2, %add3A_46 : i32
    %mul3A_48 = arith.constant 784 : i32
    %mul3A_49 = arith.muli %add3A_47, %mul3A_48 : i32
    %add3A_50 = vector.broadcast %mul3A_49 : i32 to vector<16xi32>
    %add3A_51 = arith.addi %gather3A_45, %add3A_50 : vector<16xi32>
    %swap3A_52 = arith.constant 16 : index
    %swap3A_53 = tpu.vector_load %arg10[%swap3A_52] {strides = array<i32>} : memref<32xi32, #tpu.memory_space<vmem>>, vector<16xi32>,
    tpu.vector_store %arg10[%swap3A_52], %add3A_51 {strides = array<i32>} : memref<32xi32, #tpu.memory_space<vmem>>, vector<16xi32>,
    %dma_start3A_54 = arith.constant 0 : i32
    %dma_start3A_55 = arith.constant 0 : i32
    %dma_start3A_56 = tpu.memref_slice %arg2[%dma_start3A_54, %dma_start3A_55] : memref<802816x128xf32, #tpu.memory_space<hbm>> -> memref<802816x128xf32, #tpu.memory_space<hbm>>
    tpu.enqueue_indirect_dma source(%dma_start3A_56 : memref<802816x128xf32, #tpu.memory_space<hbm>>) target(%arg12 : memref<32x128xf32, #tpu.memory_space<vmem>>) offsets(%arg10 : memref<32xi32, #tpu.memory_space<vmem>>) semaphore(%arg19 : memref<!tpu.dma_semaphore, #tpu.memory_space<semaphore_mem>>)
    %scan3A = arith.constant 0 : i32
    %scan3A_57 = arith.constant 0 : i32
    %scan3A_58 = arith.constant 16 : i32
    %scan3A_59 = arith.addi %scan3A_57, %scan3A_58 : i32
    %scan3A_60 = arith.constant 1 : i32
    %scan3A_61 = scf.for %scan3A_63 = %scan3A_57 to %scan3A_59 step %scan3A_60 iter_args(%scan3A_64 = %scan3A) -> (i32)  : i32 {
      %mul3A_65 = arith.constant 2 : i32
      %mul3A_66 = arith.muli %mul3A_65, %scan3A_63 : i32
      %add3A_67 = arith.addi %mul3A_2, %mul3A_66 : i32
      %broadcast_in_dim3A_68 = vector.broadcast %mul3A_66 : i32 to vector<16xi32>
      %dma_wait3A = arith.constant 0 : i32
      %dma_wait3A_69 = arith.constant 0 : i32
      %dma_wait3A_70 = tpu.memref_slice %arg2[%dma_wait3A, %dma_wait3A_69] : memref<802816x128xf32, #tpu.memory_space<hbm>> -> memref<802816x128xf32, #tpu.memory_space<hbm>>
      tpu.wait_indirect_dma semaphore(%arg18 : memref<!tpu.dma_semaphore, #tpu.memory_space<semaphore_mem>>) src(%dma_wait3A_70 : memref<802816x128xf32, #tpu.memory_space<hbm>>) dst(%arg11 : memref<32x128xf32, #tpu.memory_space<vmem>>)
      %add3A_71 = arith.constant 0 : i32
      %add3A_72 = vector.broadcast %add3A_71 : i32 to vector<16xi32>
      %add3A_73 = arith.addi %iota3A, %add3A_72 : vector<16xi32>
      %gather3A_74 = tpu.vector_load_idx %arg8[%broadcast_in_dim3A_68, %add3A_73] : memref<32x32xf32, #tpu.memory_space<vmem>>[vector<16xi32>, vector<16xi32>], vector<16xf32>,
      %swap3A_75 = arith.constant 0 : index
      %swap3A_76 = tpu.vector_load %arg13[%swap3A_75] {strides = array<i32>} : memref<32xf32, #tpu.memory_space<vmem>>, vector<16xf32>,
      tpu.vector_store %arg13[%swap3A_75], %gather3A_74 {strides = array<i32>} : memref<32xf32, #tpu.memory_space<vmem>>, vector<16xf32>,
      %add3A_77 = arith.constant 16 : i32
      %add3A_78 = vector.broadcast %add3A_77 : i32 to vector<16xi32>
      %add3A_79 = arith.addi %iota3A, %add3A_78 : vector<16xi32>
      %gather3A_80 = tpu.vector_load_idx %arg8[%broadcast_in_dim3A_68, %add3A_79] : memref<32x32xf32, #tpu.memory_space<vmem>>[vector<16xi32>, vector<16xi32>], vector<16xf32>,
      %swap3A_81 = arith.constant 16 : index
      %swap3A_82 = tpu.vector_load %arg13[%swap3A_81] {strides = array<i32>} : memref<32xf32, #tpu.memory_space<vmem>>, vector<16xf32>,
      tpu.vector_store %arg13[%swap3A_81], %gather3A_80 {strides = array<i32>} : memref<32xf32, #tpu.memory_space<vmem>>, vector<16xf32>,
      %scan3A_83 = arith.constant 0 : i32
      %scan3A_84 = arith.constant 0 : i32
      %scan3A_85 = arith.constant 32 : i32
      %scan3A_86 = arith.addi %scan3A_84, %scan3A_85 : i32
      %scan3A_87 = arith.constant 1 : i32
      %scan3A_88 = scf.for %scan3A_253 = %scan3A_84 to %scan3A_86 step %scan3A_87 iter_args(%scan3A_254 = %scan3A_83) -> (i32)  : i32 {
        %get3A_255 = arith.constant 0 : index
        %get3A_256 = tpu.vector_load %arg13[%get3A_255] {strides = array<i32>} : memref<32xf32, #tpu.memory_space<vmem>>, vector<16xf32>,
        %get3A_257 = arith.constant 16 : index
        %get3A_258 = tpu.vector_load %arg13[%get3A_257] {strides = array<i32>} : memref<32xf32, #tpu.memory_space<vmem>>, vector<16xf32>,
        %max3A_259 = arith.maximumf %get3A_256, %get3A_258 : vector<16xf32>
        %reduce_max3A_260 = arith.constant true
        %reduce_max3A_261 = vector.broadcast %reduce_max3A_260 : i1 to vector<16xi1>
        %reduce_max3A_262 = tpu.scan <max>, %max3A_259 masked %reduce_max3A_261 : vector<16xf32>, vector<16xi1> -> vector<16xf32>
        %reduce_max3A_263 = vector.extract %reduce_max3A_262[15] : f32 from vector<16xf32>
        %eq3A = vector.broadcast %reduce_max3A_263 : f32 to vector<16xf32>
        %eq3A_264 = arith.cmpf oeq, %get3A_256, %eq3A : vector<16xf32>
        %all_reduce_ffs3A = tpu.all_reduce %eq3A_264 {dim = 0 : i64, kind = #tpu.reduction_kind<find_first_set>} : vector<16xi1> -> vector<16xi32>
        %reduce_min3A = arith.constant true
        %reduce_min3A_265 = vector.broadcast %reduce_min3A : i1 to vector<16xi1>
        %reduce_min3A_266 = arith.constant -2147483648 : i32
        %reduce_min3A_267 = vector.broadcast %reduce_min3A_266 : i32 to vector<16xi32>
        %reduce_min3A_268 = arith.xori %all_reduce_ffs3A, %reduce_min3A_267 : vector<16xi32>
        %reduce_min3A_269 = tpu.scan <min>, %reduce_min3A_268 masked %reduce_min3A_265 : vector<16xi32>, vector<16xi1> -> vector<16xi32>
        %reduce_min3A_270 = arith.xori %reduce_min3A_269, %reduce_min3A_267 : vector<16xi32>
        %reduce_min3A_271 = vector.extract %reduce_min3A_270[15] : i32 from vector<16xi32>
        %eq3A_272 = vector.broadcast %reduce_max3A_263 : f32 to vector<16xf32>
        %eq3A_273 = arith.cmpf oeq, %get3A_258, %eq3A_272 : vector<16xf32>
        %all_reduce_ffs3A_274 = tpu.all_reduce %eq3A_273 {dim = 0 : i64, kind = #tpu.reduction_kind<find_first_set>} : vector<16xi1> -> vector<16xi32>
        %reduce_min3A_275 = arith.constant true
        %reduce_min3A_276 = vector.broadcast %reduce_min3A_275 : i1 to vector<16xi1>
        %reduce_min3A_277 = arith.constant -2147483648 : i32
        %reduce_min3A_278 = vector.broadcast %reduce_min3A_277 : i32 to vector<16xi32>
        %reduce_min3A_279 = arith.xori %all_reduce_ffs3A_274, %reduce_min3A_278 : vector<16xi32>
        %reduce_min3A_280 = tpu.scan <min>, %reduce_min3A_279 masked %reduce_min3A_276 : vector<16xi32>, vector<16xi1> -> vector<16xi32>
        %reduce_min3A_281 = arith.xori %reduce_min3A_280, %reduce_min3A_278 : vector<16xi32>
        %reduce_min3A_282 = vector.extract %reduce_min3A_281[15] : i32 from vector<16xi32>
        %lt3A_283 = arith.constant 16 : i32
        %lt3A_284 = arith.cmpi slt, %reduce_min3A_271, %lt3A_283 : i32
        %add3A_285 = arith.constant 16 : i32
        %add3A_286 = arith.addi %reduce_min3A_282, %add3A_285 : i32
        %select_n3A = arith.select %lt3A_284, %reduce_min3A_271, %add3A_286 : i32
        %broadcast_in_dim3A_287 = vector.broadcast %select_n3A : i32 to vector<16xi32>
        %add3A_288 = arith.constant 0 : i32
        %add3A_289 = vector.broadcast %add3A_288 : i32 to vector<16xi32>
        %add3A_290 = arith.addi %iota3A, %add3A_289 : vector<16xi32>
        %gather3A_291 = tpu.vector_load_idx %arg11[%broadcast_in_dim3A_287, %add3A_290] : memref<32x128xf32, #tpu.memory_space<vmem>>[vector<16xi32>, vector<16xi32>], vector<16xf32>,
        %eq3A_292 = vector.broadcast %reduce_max3A_263 : f32 to vector<16xf32>
        %eq3A_293 = arith.cmpf oeq, %gather3A_291, %eq3A_292 : vector<16xf32>
        %all_reduce_ffs3A_294 = tpu.all_reduce %eq3A_293 {dim = 0 : i64, kind = #tpu.reduction_kind<find_first_set>} : vector<16xi1> -> vector<16xi32>
        %reduce_min3A_295 = arith.constant true
        %reduce_min3A_296 = vector.broadcast %reduce_min3A_295 : i1 to vector<16xi1>
        %reduce_min3A_297 = arith.constant -2147483648 : i32
        %reduce_min3A_298 = vector.broadcast %reduce_min3A_297 : i32 to vector<16xi32>
        %reduce_min3A_299 = arith.xori %all_reduce_ffs3A_294, %reduce_min3A_298 : vector<16xi32>
        %reduce_min3A_300 = tpu.scan <min>, %reduce_min3A_299 masked %reduce_min3A_296 : vector<16xi32>, vector<16xi1> -> vector<16xi32>
        %reduce_min3A_301 = arith.xori %reduce_min3A_300, %reduce_min3A_298 : vector<16xi32>
        %reduce_min3A_302 = vector.extract %reduce_min3A_301[15] : i32 from vector<16xi32>
        %lt3A_303 = arith.constant 16 : i32
        %lt3A_304 = arith.cmpi slt, %reduce_min3A_302, %lt3A_303 : i32
        %add3A_305 = arith.constant 0 : i32
        %add3A_306 = arith.addi %add3A_305, %reduce_min3A_302 : i32
        %jit3A = arith.constant 1048576 : i32
        %select_n3A_307 = arith.select %lt3A_304, %add3A_306, %jit3A : i32
        %min3A = arith.constant 1048576 : i32
        %min3A_308 = arith.minsi %min3A, %select_n3A_307 : i32
        %add3A_309 = arith.constant 16 : i32
        %add3A_310 = vector.broadcast %add3A_309 : i32 to vector<16xi32>
        %add3A_311 = arith.addi %iota3A, %add3A_310 : vector<16xi32>
        %gather3A_312 = tpu.vector_load_idx %arg11[%broadcast_in_dim3A_287, %add3A_311] : memref<32x128xf32, #tpu.memory_space<vmem>>[vector<16xi32>, vector<16xi32>], vector<16xf32>,
        %eq3A_313 = vector.broadcast %reduce_max3A_263 : f32 to vector<16xf32>
        %eq3A_314 = arith.cmpf oeq, %gather3A_312, %eq3A_313 : vector<16xf32>
        %all_reduce_ffs3A_315 = tpu.all_reduce %eq3A_314 {dim = 0 : i64, kind = #tpu.reduction_kind<find_first_set>} : vector<16xi1> -> vector<16xi32>
        %reduce_min3A_316 = arith.constant true
        %reduce_min3A_317 = vector.broadcast %reduce_min3A_316 : i1 to vector<16xi1>
        %reduce_min3A_318 = arith.constant -2147483648 : i32
        %reduce_min3A_319 = vector.broadcast %reduce_min3A_318 : i32 to vector<16xi32>
        %reduce_min3A_320 = arith.xori %all_reduce_ffs3A_315, %reduce_min3A_319 : vector<16xi32>
        %reduce_min3A_321 = tpu.scan <min>, %reduce_min3A_320 masked %reduce_min3A_317 : vector<16xi32>, vector<16xi1> -> vector<16xi32>
        %reduce_min3A_322 = arith.xori %reduce_min3A_321, %reduce_min3A_319 : vector<16xi32>
        %reduce_min3A_323 = vector.extract %reduce_min3A_322[15] : i32 from vector<16xi32>
        %lt3A_324 = arith.constant 16 : i32
        %lt3A_325 = arith.cmpi slt, %reduce_min3A_323, %lt3A_324 : i32
        %add3A_326 = arith.constant 16 : i32
        %add3A_327 = arith.addi %add3A_326, %reduce_min3A_323 : i32
        %jit3A_328 = arith.constant 1048576 : i32
        %select_n3A_329 = arith.select %lt3A_325, %add3A_327, %jit3A_328 : i32
        %min3A_330 = arith.minsi %min3A_308, %select_n3A_329 : i32
        %add3A_331 = arith.constant 32 : i32
        %add3A_332 = vector.broadcast %add3A_331 : i32 to vector<16xi32>
        %add3A_333 = arith.addi %iota3A, %add3A_332 : vector<16xi32>
        %gather3A_334 = tpu.vector_load_idx %arg11[%broadcast_in_dim3A_287, %add3A_333] : memref<32x128xf32, #tpu.memory_space<vmem>>[vector<16xi32>, vector<16xi32>], vector<16xf32>,
        %eq3A_335 = vector.broadcast %reduce_max3A_263 : f32 to vector<16xf32>
        %eq3A_336 = arith.cmpf oeq, %gather3A_334, %eq3A_335 : vector<16xf32>
        %all_reduce_ffs3A_337 = tpu.all_reduce %eq3A_336 {dim = 0 : i64, kind = #tpu.reduction_kind<find_first_set>} : vector<16xi1> -> vector<16xi32>
        %reduce_min3A_338 = arith.constant true
        %reduce_min3A_339 = vector.broadcast %reduce_min3A_338 : i1 to vector<16xi1>
        %reduce_min3A_340 = arith.constant -2147483648 : i32
        %reduce_min3A_341 = vector.broadcast %reduce_min3A_340 : i32 to vector<16xi32>
        %reduce_min3A_342 = arith.xori %all_reduce_ffs3A_337, %reduce_min3A_341 : vector<16xi32>
        %reduce_min3A_343 = tpu.scan <min>, %reduce_min3A_342 masked %reduce_min3A_339 : vector<16xi32>, vector<16xi1> -> vector<16xi32>
        %reduce_min3A_344 = arith.xori %reduce_min3A_343, %reduce_min3A_341 : vector<16xi32>
        %reduce_min3A_345 = vector.extract %reduce_min3A_344[15] : i32 from vector<16xi32>
        %lt3A_346 = arith.constant 16 : i32
        %lt3A_347 = arith.cmpi slt, %reduce_min3A_345, %lt3A_346 : i32
        %add3A_348 = arith.constant 32 : i32
        %add3A_349 = arith.addi %add3A_348, %reduce_min3A_345 : i32
        %jit3A_350 = arith.constant 1048576 : i32
        %select_n3A_351 = arith.select %lt3A_347, %add3A_349, %jit3A_350 : i32
        %min3A_352 = arith.minsi %min3A_330, %select_n3A_351 : i32
        %add3A_353 = arith.constant 48 : i32
        %add3A_354 = vector.broadcast %add3A_353 : i32 to vector<16xi32>
        %add3A_355 = arith.addi %iota3A, %add3A_354 : vector<16xi32>
        %gather3A_356 = tpu.vector_load_idx %arg11[%broadcast_in_dim3A_287, %add3A_355] : memref<32x128xf32, #tpu.memory_space<vmem>>[vector<16xi32>, vector<16xi32>], vector<16xf32>,
        %eq3A_357 = vector.broadcast %reduce_max3A_263 : f32 to vector<16xf32>
        %eq3A_358 = arith.cmpf oeq, %gather3A_356, %eq3A_357 : vector<16xf32>
        %all_reduce_ffs3A_359 = tpu.all_reduce %eq3A_358 {dim = 0 : i64, kind = #tpu.reduction_kind<find_first_set>} : vector<16xi1> -> vector<16xi32>
        %reduce_min3A_360 = arith.constant true
        %reduce_min3A_361 = vector.broadcast %reduce_min3A_360 : i1 to vector<16xi1>
        %reduce_min3A_362 = arith.constant -2147483648 : i32
        %reduce_min3A_363 = vector.broadcast %reduce_min3A_362 : i32 to vector<16xi32>
        %reduce_min3A_364 = arith.xori %all_reduce_ffs3A_359, %reduce_min3A_363 : vector<16xi32>
        %reduce_min3A_365 = tpu.scan <min>, %reduce_min3A_364 masked %reduce_min3A_361 : vector<16xi32>, vector<16xi1> -> vector<16xi32>
        %reduce_min3A_366 = arith.xori %reduce_min3A_365, %reduce_min3A_363 : vector<16xi32>
        %reduce_min3A_367 = vector.extract %reduce_min3A_366[15] : i32 from vector<16xi32>
        %lt3A_368 = arith.constant 16 : i32
        %lt3A_369 = arith.cmpi slt, %reduce_min3A_367, %lt3A_368 : i32
        %add3A_370 = arith.constant 48 : i32
        %add3A_371 = arith.addi %add3A_370, %reduce_min3A_367 : i32
        %jit3A_372 = arith.constant 1048576 : i32
        %select_n3A_373 = arith.select %lt3A_369, %add3A_371, %jit3A_372 : i32
        %min3A_374 = arith.minsi %min3A_352, %select_n3A_373 : i32
        %add3A_375 = arith.constant 64 : i32
        %add3A_376 = vector.broadcast %add3A_375 : i32 to vector<16xi32>
        %add3A_377 = arith.addi %iota3A, %add3A_376 : vector<16xi32>
        %gather3A_378 = tpu.vector_load_idx %arg11[%broadcast_in_dim3A_287, %add3A_377] : memref<32x128xf32, #tpu.memory_space<vmem>>[vector<16xi32>, vector<16xi32>], vector<16xf32>,
        %eq3A_379 = vector.broadcast %reduce_max3A_263 : f32 to vector<16xf32>
        %eq3A_380 = arith.cmpf oeq, %gather3A_378, %eq3A_379 : vector<16xf32>
        %all_reduce_ffs3A_381 = tpu.all_reduce %eq3A_380 {dim = 0 : i64, kind = #tpu.reduction_kind<find_first_set>} : vector<16xi1> -> vector<16xi32>
        %reduce_min3A_382 = arith.constant true
        %reduce_min3A_383 = vector.broadcast %reduce_min3A_382 : i1 to vector<16xi1>
        %reduce_min3A_384 = arith.constant -2147483648 : i32
        %reduce_min3A_385 = vector.broadcast %reduce_min3A_384 : i32 to vector<16xi32>
        %reduce_min3A_386 = arith.xori %all_reduce_ffs3A_381, %reduce_min3A_385 : vector<16xi32>
        %reduce_min3A_387 = tpu.scan <min>, %reduce_min3A_386 masked %reduce_min3A_383 : vector<16xi32>, vector<16xi1> -> vector<16xi32>
        %reduce_min3A_388 = arith.xori %reduce_min3A_387, %reduce_min3A_385 : vector<16xi32>
        %reduce_min3A_389 = vector.extract %reduce_min3A_388[15] : i32 from vector<16xi32>
        %lt3A_390 = arith.constant 16 : i32
        %lt3A_391 = arith.cmpi slt, %reduce_min3A_389, %lt3A_390 : i32
        %add3A_392 = arith.constant 64 : i32
        %add3A_393 = arith.addi %add3A_392, %reduce_min3A_389 : i32
        %jit3A_394 = arith.constant 1048576 : i32
        %select_n3A_395 = arith.select %lt3A_391, %add3A_393, %jit3A_394 : i32
        %min3A_396 = arith.minsi %min3A_374, %select_n3A_395 : i32
        %add3A_397 = arith.constant 80 : i32
        %add3A_398 = vector.broadcast %add3A_397 : i32 to vector<16xi32>
        %add3A_399 = arith.addi %iota3A, %add3A_398 : vector<16xi32>
        %gather3A_400 = tpu.vector_load_idx %arg11[%broadcast_in_dim3A_287, %add3A_399] : memref<32x128xf32, #tpu.memory_space<vmem>>[vector<16xi32>, vector<16xi32>], vector<16xf32>,
        %eq3A_401 = vector.broadcast %reduce_max3A_263 : f32 to vector<16xf32>
        %eq3A_402 = arith.cmpf oeq, %gather3A_400, %eq3A_401 : vector<16xf32>
        %all_reduce_ffs3A_403 = tpu.all_reduce %eq3A_402 {dim = 0 : i64, kind = #tpu.reduction_kind<find_first_set>} : vector<16xi1> -> vector<16xi32>
        %reduce_min3A_404 = arith.constant true
        %reduce_min3A_405 = vector.broadcast %reduce_min3A_404 : i1 to vector<16xi1>
        %reduce_min3A_406 = arith.constant -2147483648 : i32
        %reduce_min3A_407 = vector.broadcast %reduce_min3A_406 : i32 to vector<16xi32>
        %reduce_min3A_408 = arith.xori %all_reduce_ffs3A_403, %reduce_min3A_407 : vector<16xi32>
        %reduce_min3A_409 = tpu.scan <min>, %reduce_min3A_408 masked %reduce_min3A_405 : vector<16xi32>, vector<16xi1> -> vector<16xi32>
        %reduce_min3A_410 = arith.xori %reduce_min3A_409, %reduce_min3A_407 : vector<16xi32>
        %reduce_min3A_411 = vector.extract %reduce_min3A_410[15] : i32 from vector<16xi32>
        %lt3A_412 = arith.constant 16 : i32
        %lt3A_413 = arith.cmpi slt, %reduce_min3A_411, %lt3A_412 : i32
        %add3A_414 = arith.constant 80 : i32
        %add3A_415 = arith.addi %add3A_414, %reduce_min3A_411 : i32
        %jit3A_416 = arith.constant 1048576 : i32
        %select_n3A_417 = arith.select %lt3A_413, %add3A_415, %jit3A_416 : i32
        %min3A_418 = arith.minsi %min3A_396, %select_n3A_417 : i32
        %add3A_419 = arith.constant 96 : i32
        %add3A_420 = vector.broadcast %add3A_419 : i32 to vector<16xi32>
        %add3A_421 = arith.addi %iota3A, %add3A_420 : vector<16xi32>
        %gather3A_422 = tpu.vector_load_idx %arg11[%broadcast_in_dim3A_287, %add3A_421] : memref<32x128xf32, #tpu.memory_space<vmem>>[vector<16xi32>, vector<16xi32>], vector<16xf32>,
        %eq3A_423 = vector.broadcast %reduce_max3A_263 : f32 to vector<16xf32>
        %eq3A_424 = arith.cmpf oeq, %gather3A_422, %eq3A_423 : vector<16xf32>
        %all_reduce_ffs3A_425 = tpu.all_reduce %eq3A_424 {dim = 0 : i64, kind = #tpu.reduction_kind<find_first_set>} : vector<16xi1> -> vector<16xi32>
        %reduce_min3A_426 = arith.constant true
        %reduce_min3A_427 = vector.broadcast %reduce_min3A_426 : i1 to vector<16xi1>
        %reduce_min3A_428 = arith.constant -2147483648 : i32
        %reduce_min3A_429 = vector.broadcast %reduce_min3A_428 : i32 to vector<16xi32>
        %reduce_min3A_430 = arith.xori %all_reduce_ffs3A_425, %reduce_min3A_429 : vector<16xi32>
        %reduce_min3A_431 = tpu.scan <min>, %reduce_min3A_430 masked %reduce_min3A_427 : vector<16xi32>, vector<16xi1> -> vector<16xi32>
        %reduce_min3A_432 = arith.xori %reduce_min3A_431, %reduce_min3A_429 : vector<16xi32>
        %reduce_min3A_433 = vector.extract %reduce_min3A_432[15] : i32 from vector<16xi32>
        %lt3A_434 = arith.constant 16 : i32
        %lt3A_435 = arith.cmpi slt, %reduce_min3A_433, %lt3A_434 : i32
        %add3A_436 = arith.constant 96 : i32
        %add3A_437 = arith.addi %add3A_436, %reduce_min3A_433 : i32
        %jit3A_438 = arith.constant 1048576 : i32
        %select_n3A_439 = arith.select %lt3A_435, %add3A_437, %jit3A_438 : i32
        %min3A_440 = arith.minsi %min3A_418, %select_n3A_439 : i32
        %add3A_441 = arith.constant 112 : i32
        %add3A_442 = vector.broadcast %add3A_441 : i32 to vector<16xi32>
        %add3A_443 = arith.addi %iota3A, %add3A_442 : vector<16xi32>
        %gather3A_444 = tpu.vector_load_idx %arg11[%broadcast_in_dim3A_287, %add3A_443] : memref<32x128xf32, #tpu.memory_space<vmem>>[vector<16xi32>, vector<16xi32>], vector<16xf32>,
        %eq3A_445 = vector.broadcast %reduce_max3A_263 : f32 to vector<16xf32>
        %eq3A_446 = arith.cmpf oeq, %gather3A_444, %eq3A_445 : vector<16xf32>
        %all_reduce_ffs3A_447 = tpu.all_reduce %eq3A_446 {dim = 0 : i64, kind = #tpu.reduction_kind<find_first_set>} : vector<16xi1> -> vector<16xi32>
        %reduce_min3A_448 = arith.constant true
        %reduce_min3A_449 = vector.broadcast %reduce_min3A_448 : i1 to vector<16xi1>
        %reduce_min3A_450 = arith.constant -2147483648 : i32
        %reduce_min3A_451 = vector.broadcast %reduce_min3A_450 : i32 to vector<16xi32>
        %reduce_min3A_452 = arith.xori %all_reduce_ffs3A_447, %reduce_min3A_451 : vector<16xi32>
        %reduce_min3A_453 = tpu.scan <min>, %reduce_min3A_452 masked %reduce_min3A_449 : vector<16xi32>, vector<16xi1> -> vector<16xi32>
        %reduce_min3A_454 = arith.xori %reduce_min3A_453, %reduce_min3A_451 : vector<16xi32>
        %reduce_min3A_455 = vector.extract %reduce_min3A_454[15] : i32 from vector<16xi32>
        %lt3A_456 = arith.constant 16 : i32
        %lt3A_457 = arith.cmpi slt, %reduce_min3A_455, %lt3A_456 : i32
        %add3A_458 = arith.constant 112 : i32
        %add3A_459 = arith.addi %add3A_458, %reduce_min3A_455 : i32
        %jit3A_460 = arith.constant 1048576 : i32
        %select_n3A_461 = arith.select %lt3A_457, %add3A_459, %jit3A_460 : i32
        %min3A_462 = arith.minsi %min3A_440, %select_n3A_461 : i32
        %eq3A_463 = arith.constant 0 : i32
        %eq3A_464 = vector.broadcast %eq3A_463 : i32 to vector<16xi32>
        %eq3A_465 = arith.cmpi eq, %iota3A, %eq3A_464 : vector<16xi32>
        %broadcast_in_dim3A_466 = vector.broadcast %scan3A_253 : i32 to vector<16xi32>
        %broadcast_in_dim3A_467 = vector.broadcast %reduce_max3A_263 : f32 to vector<16xf32>
        tpu.vector_store_idx %arg14[%broadcast_in_dim3A_466], %broadcast_in_dim3A_467 masked %eq3A_465 : memref<32xf32, #tpu.memory_space<vmem>>[vector<16xi32>], vector<16xf32>, vector<16xi1>
        %gather3A_468 = tpu.vector_load_idx %arg7[%broadcast_in_dim3A_68, %broadcast_in_dim3A_287] : memref<32x32xi32, #tpu.memory_space<vmem>>[vector<16xi32>, vector<16xi32>], vector<16xi32>,
        %reduce_max3A_469 = arith.constant true
        %reduce_max3A_470 = vector.broadcast %reduce_max3A_469 : i1 to vector<16xi1>
        %reduce_max3A_471 = arith.constant -2147483648 : i32
        %reduce_max3A_472 = vector.broadcast %reduce_max3A_471 : i32 to vector<16xi32>
        %reduce_max3A_473 = arith.xori %gather3A_468, %reduce_max3A_472 : vector<16xi32>
        %reduce_max3A_474 = tpu.scan <max>, %reduce_max3A_473 masked %reduce_max3A_470 : vector<16xi32>, vector<16xi1> -> vector<16xi32>
        %reduce_max3A_475 = arith.xori %reduce_max3A_474, %reduce_max3A_472 : vector<16xi32>
        %reduce_max3A_476 = vector.extract %reduce_max3A_475[15] : i32 from vector<16xi32>
        %broadcast_in_dim3A_477 = vector.broadcast %scan3A_253 : i32 to vector<16xi32>
        %mul3A_478 = arith.constant 128 : i32
        %mul3A_479 = arith.muli %reduce_max3A_476, %mul3A_478 : i32
        %add3A_480 = arith.addi %mul3A_479, %min3A_462 : i32
        %broadcast_in_dim3A_481 = vector.broadcast %add3A_480 : i32 to vector<16xi32>
        tpu.vector_store_idx %arg15[%broadcast_in_dim3A_477], %broadcast_in_dim3A_481 masked %eq3A_465 : memref<32xi32, #tpu.memory_space<vmem>>[vector<16xi32>], vector<16xi32>, vector<16xi1>
        %broadcast_in_dim3A_482 = vector.broadcast %min3A_462 : i32 to vector<16xi32>
        %broadcast_in_dim3A_483 = arith.constant -1.000000e+30 : f32
        %broadcast_in_dim3A_484 = vector.broadcast %broadcast_in_dim3A_483 : f32 to vector<16xf32>
        tpu.vector_store_idx %arg11[%broadcast_in_dim3A_287, %broadcast_in_dim3A_482], %broadcast_in_dim3A_484 masked %eq3A_465 : memref<32x128xf32, #tpu.memory_space<vmem>>[vector<16xi32>, vector<16xi32>], vector<16xf32>, vector<16xi1>
        %broadcast_in_dim3A_485 = arith.constant -3.000000e+38 : f32
        %broadcast_in_dim3A_486 = vector.broadcast %broadcast_in_dim3A_485 : f32 to vector<16xf32>
        %add3A_487 = arith.constant 0 : i32
        %add3A_488 = vector.broadcast %add3A_487 : i32 to vector<16xi32>
        %add3A_489 = arith.addi %iota3A, %add3A_488 : vector<16xi32>
        %gather3A_490 = tpu.vector_load_idx %arg11[%broadcast_in_dim3A_287, %add3A_489] : memref<32x128xf32, #tpu.memory_space<vmem>>[vector<16xi32>, vector<16xi32>], vector<16xf32>,
        %max3A_491 = arith.maximumf %broadcast_in_dim3A_486, %gather3A_490 : vector<16xf32>
        %add3A_492 = arith.constant 16 : i32
        %add3A_493 = vector.broadcast %add3A_492 : i32 to vector<16xi32>
        %add3A_494 = arith.addi %iota3A, %add3A_493 : vector<16xi32>
        %gather3A_495 = tpu.vector_load_idx %arg11[%broadcast_in_dim3A_287, %add3A_494] : memref<32x128xf32, #tpu.memory_space<vmem>>[vector<16xi32>, vector<16xi32>], vector<16xf32>,
        %max3A_496 = arith.maximumf %max3A_491, %gather3A_495 : vector<16xf32>
        %add3A_497 = arith.constant 32 : i32
        %add3A_498 = vector.broadcast %add3A_497 : i32 to vector<16xi32>
        %add3A_499 = arith.addi %iota3A, %add3A_498 : vector<16xi32>
        %gather3A_500 = tpu.vector_load_idx %arg11[%broadcast_in_dim3A_287, %add3A_499] : memref<32x128xf32, #tpu.memory_space<vmem>>[vector<16xi32>, vector<16xi32>], vector<16xf32>,
        %max3A_501 = arith.maximumf %max3A_496, %gather3A_500 : vector<16xf32>
        %add3A_502 = arith.constant 48 : i32
        %add3A_503 = vector.broadcast %add3A_502 : i32 to vector<16xi32>
        %add3A_504 = arith.addi %iota3A, %add3A_503 : vector<16xi32>
        %gather3A_505 = tpu.vector_load_idx %arg11[%broadcast_in_dim3A_287, %add3A_504] : memref<32x128xf32, #tpu.memory_space<vmem>>[vector<16xi32>, vector<16xi32>], vector<16xf32>,
        %max3A_506 = arith.maximumf %max3A_501, %gather3A_505 : vector<16xf32>
        %add3A_507 = arith.constant 64 : i32
        %add3A_508 = vector.broadcast %add3A_507 : i32 to vector<16xi32>
        %add3A_509 = arith.addi %iota3A, %add3A_508 : vector<16xi32>
        %gather3A_510 = tpu.vector_load_idx %arg11[%broadcast_in_dim3A_287, %add3A_509] : memref<32x128xf32, #tpu.memory_space<vmem>>[vector<16xi32>, vector<16xi32>], vector<16xf32>,
        %max3A_511 = arith.maximumf %max3A_506, %gather3A_510 : vector<16xf32>
        %add3A_512 = arith.constant 80 : i32
        %add3A_513 = vector.broadcast %add3A_512 : i32 to vector<16xi32>
        %add3A_514 = arith.addi %iota3A, %add3A_513 : vector<16xi32>
        %gather3A_515 = tpu.vector_load_idx %arg11[%broadcast_in_dim3A_287, %add3A_514] : memref<32x128xf32, #tpu.memory_space<vmem>>[vector<16xi32>, vector<16xi32>], vector<16xf32>,
        %max3A_516 = arith.maximumf %max3A_511, %gather3A_515 : vector<16xf32>
        %add3A_517 = arith.constant 96 : i32
        %add3A_518 = vector.broadcast %add3A_517 : i32 to vector<16xi32>
        %add3A_519 = arith.addi %iota3A, %add3A_518 : vector<16xi32>
        %gather3A_520 = tpu.vector_load_idx %arg11[%broadcast_in_dim3A_287, %add3A_519] : memref<32x128xf32, #tpu.memory_space<vmem>>[vector<16xi32>, vector<16xi32>], vector<16xf32>,
        %max3A_521 = arith.maximumf %max3A_516, %gather3A_520 : vector<16xf32>
        %add3A_522 = arith.constant 112 : i32
        %add3A_523 = vector.broadcast %add3A_522 : i32 to vector<16xi32>
        %add3A_524 = arith.addi %iota3A, %add3A_523 : vector<16xi32>
        %gather3A_525 = tpu.vector_load_idx %arg11[%broadcast_in_dim3A_287, %add3A_524] : memref<32x128xf32, #tpu.memory_space<vmem>>[vector<16xi32>, vector<16xi32>], vector<16xf32>,
        %max3A_526 = arith.maximumf %max3A_521, %gather3A_525 : vector<16xf32>
        %reduce_max3A_527 = arith.constant true
        %reduce_max3A_528 = vector.broadcast %reduce_max3A_527 : i1 to vector<16xi1>
        %reduce_max3A_529 = tpu.scan <max>, %max3A_526 masked %reduce_max3A_528 : vector<16xf32>, vector<16xi1> -> vector<16xf32>
        %reduce_max3A_530 = vector.extract %reduce_max3A_529[15] : f32 from vector<16xf32>
        %broadcast_in_dim3A_531 = vector.broadcast %reduce_max3A_530 : f32 to vector<16xf32>
        tpu.vector_store_idx %arg13[%broadcast_in_dim3A_287], %broadcast_in_dim3A_531 masked %eq3A_465 : memref<32xf32, #tpu.memory_space<vmem>>[vector<16xi32>], vector<16xf32>, vector<16xi1>
        %scan3A_532 = arith.constant 0 : i32
        scf.yield %scan3A_532 : i32
      }
      %scan3A_89 = arith.constant 32 : i32
      %get3A = arith.constant 0 : index
      %get3A_90 = tpu.vector_load %arg14[%get3A] {strides = array<i32>} : memref<32xf32, #tpu.memory_space<vmem>>, vector<16xf32>,
      %get3A_91 = arith.constant 16 : index
      %get3A_92 = tpu.vector_load %arg14[%get3A_91] {strides = array<i32>} : memref<32xf32, #tpu.memory_space<vmem>>, vector<16xf32>,
      %max3A = arith.maximumf %get3A_90, %get3A_92 : vector<16xf32>
      %reduce_max3A = arith.constant true
      %reduce_max3A_93 = vector.broadcast %reduce_max3A : i1 to vector<16xi1>
      %reduce_max3A_94 = tpu.scan <max>, %max3A masked %reduce_max3A_93 : vector<16xf32>, vector<16xi1> -> vector<16xf32>
      %reduce_max3A_95 = vector.extract %reduce_max3A_94[15] : f32 from vector<16xf32>
      %sub3A = vector.broadcast %reduce_max3A_95 : f32 to vector<16xf32>
      %sub3A_96 = arith.subf %get3A_90, %sub3A : vector<16xf32>
      %mul3A_97 = arith.constant 1.000000e+01 : f32
      %mul3A_98 = vector.broadcast %mul3A_97 : f32 to vector<16xf32>
      %mul3A_99 = arith.mulf %sub3A_96, %mul3A_98 : vector<16xf32>
      %exp3A = math.exp %mul3A_99 : vector<16xf32>
      %sub3A_100 = vector.broadcast %reduce_max3A_95 : f32 to vector<16xf32>
      %sub3A_101 = arith.subf %get3A_92, %sub3A_100 : vector<16xf32>
      %mul3A_102 = arith.constant 1.000000e+01 : f32
      %mul3A_103 = vector.broadcast %mul3A_102 : f32 to vector<16xf32>
      %mul3A_104 = arith.mulf %sub3A_101, %mul3A_103 : vector<16xf32>
      %exp3A_105 = math.exp %mul3A_104 : vector<16xf32>
      %reduce_sum3A = arith.constant true
      %reduce_sum3A_106 = vector.broadcast %reduce_sum3A : i1 to vector<16xi1>
      %reduce_sum3A_107 = tpu.scan <sum>, %exp3A masked %reduce_sum3A_106 : vector<16xf32>, vector<16xi1> -> vector<16xf32>
      %reduce_sum3A_108 = vector.extract %reduce_sum3A_107[15] : f32 from vector<16xf32>
      %reduce_sum3A_109 = arith.constant true
      %reduce_sum3A_110 = vector.broadcast %reduce_sum3A_109 : i1 to vector<16xi1>
      %reduce_sum3A_111 = tpu.scan <sum>, %exp3A_105 masked %reduce_sum3A_110 : vector<16xf32>, vector<16xi1> -> vector<16xf32>
      %reduce_sum3A_112 = vector.extract %reduce_sum3A_111[15] : f32 from vector<16xf32>
      %add3A_113 = arith.addf %reduce_sum3A_108, %reduce_sum3A_112 : f32
      %broadcast_in_dim3A_114 = vector.broadcast %add3A_113 : f32 to vector<16xf32>
      %div3A = arith.divf %exp3A, %broadcast_in_dim3A_114 : vector<16xf32>
      %swap3A_115 = arith.constant 0 : index
      %swap3A_116 = tpu.vector_load %arg14[%swap3A_115] {strides = array<i32>} : memref<32xf32, #tpu.memory_space<vmem>>, vector<16xf32>,
      tpu.vector_store %arg14[%swap3A_115], %div3A {strides = array<i32>} : memref<32xf32, #tpu.memory_space<vmem>>, vector<16xf32>,
      %div3A_117 = arith.divf %exp3A_105, %broadcast_in_dim3A_114 : vector<16xf32>
      %swap3A_118 = arith.constant 16 : index
      %swap3A_119 = tpu.vector_load %arg14[%swap3A_118] {strides = array<i32>} : memref<32xf32, #tpu.memory_space<vmem>>, vector<16xf32>,
      tpu.vector_store %arg14[%swap3A_118], %div3A_117 {strides = array<i32>} : memref<32xf32, #tpu.memory_space<vmem>>, vector<16xf32>,
      %dma_start3A_120 = arith.constant 0 : i32
      %dma_start3A_121 = arith.constant 0 : i32
      %dma_start3A_122 = tpu.memref_slice %arg5[%dma_start3A_120, %dma_start3A_121] : memref<100352x128xf32, #tpu.memory_space<hbm>> -> memref<100352x128xf32, #tpu.memory_space<hbm>>
      tpu.enqueue_indirect_dma source(%dma_start3A_122 : memref<100352x128xf32, #tpu.memory_space<hbm>>) target(%arg16 : memref<32x128xf32, #tpu.memory_space<vmem>>) offsets(%arg15 : memref<32xi32, #tpu.memory_space<vmem>>) semaphore(%arg20 : memref<!tpu.dma_semaphore, #tpu.memory_space<semaphore_mem>>)
      %dma_wait3A_123 = arith.constant 0 : i32
      %dma_wait3A_124 = arith.constant 0 : i32
      %dma_wait3A_125 = tpu.memref_slice %arg5[%dma_wait3A_123, %dma_wait3A_124] : memref<100352x128xf32, #tpu.memory_space<hbm>> -> memref<100352x128xf32, #tpu.memory_space<hbm>>
      tpu.wait_indirect_dma semaphore(%arg20 : memref<!tpu.dma_semaphore, #tpu.memory_space<semaphore_mem>>) src(%dma_wait3A_125 : memref<100352x128xf32, #tpu.memory_space<hbm>>) dst(%arg16 : memref<32x128xf32, #tpu.memory_space<vmem>>)
      %broadcast_in_dim3A_126 = arith.constant 0.000000e+00 : f32
      %broadcast_in_dim3A_127 = vector.broadcast %broadcast_in_dim3A_126 : f32 to vector<16xf32>
      %swap3A_128 = arith.constant 0 : index
      %swap3A_129 = tpu.vector_load %arg17[%swap3A_128] {strides = array<i32>} : memref<64xf32, #tpu.memory_space<vmem>>, vector<16xf32>,
      tpu.vector_store %arg17[%swap3A_128], %broadcast_in_dim3A_127 {strides = array<i32>} : memref<64xf32, #tpu.memory_space<vmem>>, vector<16xf32>,
      %broadcast_in_dim3A_130 = arith.constant 0.000000e+00 : f32
      %broadcast_in_dim3A_131 = vector.broadcast %broadcast_in_dim3A_130 : f32 to vector<16xf32>
      %swap3A_132 = arith.constant 16 : index
      %swap3A_133 = tpu.vector_load %arg17[%swap3A_132] {strides = array<i32>} : memref<64xf32, #tpu.memory_space<vmem>>, vector<16xf32>,
      tpu.vector_store %arg17[%swap3A_132], %broadcast_in_dim3A_131 {strides = array<i32>} : memref<64xf32, #tpu.memory_space<vmem>>, vector<16xf32>,
      %broadcast_in_dim3A_134 = arith.constant 0.000000e+00 : f32
      %broadcast_in_dim3A_135 = vector.broadcast %broadcast_in_dim3A_134 : f32 to vector<16xf32>
      %swap3A_136 = arith.constant 32 : index
      %swap3A_137 = tpu.vector_load %arg17[%swap3A_136] {strides = array<i32>} : memref<64xf32, #tpu.memory_space<vmem>>, vector<16xf32>,
      tpu.vector_store %arg17[%swap3A_136], %broadcast_in_dim3A_135 {strides = array<i32>} : memref<64xf32, #tpu.memory_space<vmem>>, vector<16xf32>,
      %broadcast_in_dim3A_138 = arith.constant 0.000000e+00 : f32
      %broadcast_in_dim3A_139 = vector.broadcast %broadcast_in_dim3A_138 : f32 to vector<16xf32>
      %swap3A_140 = arith.constant 48 : index
      %swap3A_141 = tpu.vector_load %arg17[%swap3A_140] {strides = array<i32>} : memref<64xf32, #tpu.memory_space<vmem>>, vector<16xf32>,
      tpu.vector_store %arg17[%swap3A_140], %broadcast_in_dim3A_139 {strides = array<i32>} : memref<64xf32, #tpu.memory_space<vmem>>, vector<16xf32>,
      %scan3A_142 = arith.constant 0 : i32
      %scan3A_143 = arith.constant 0 : i32
      %scan3A_144 = arith.constant 32 : i32
      %scan3A_145 = arith.addi %scan3A_143, %scan3A_144 : i32
      %scan3A_146 = arith.constant 1 : i32
      %scan3A_147 = scf.for %scan3A_253 = %scan3A_143 to %scan3A_145 step %scan3A_146 iter_args(%scan3A_254 = %scan3A_142) -> (i32)  : i32 {
        %broadcast_in_dim3A_255 = vector.broadcast %scan3A_253 : i32 to vector<16xi32>
        %gather3A_256 = tpu.vector_load_idx %arg14[%broadcast_in_dim3A_255] : memref<32xf32, #tpu.memory_space<vmem>>[vector<16xi32>], vector<16xf32>,
        %reduce_max3A_257 = arith.constant true
        %reduce_max3A_258 = vector.broadcast %reduce_max3A_257 : i1 to vector<16xi1>
        %reduce_max3A_259 = tpu.scan <max>, %gather3A_256 masked %reduce_max3A_258 : vector<16xf32>, vector<16xi1> -> vector<16xf32>
        %reduce_max3A_260 = vector.extract %reduce_max3A_259[15] : f32 from vector<16xf32>
        %add3A_261 = arith.constant 0 : i32
        %add3A_262 = vector.broadcast %add3A_261 : i32 to vector<16xi32>
        %add3A_263 = arith.addi %iota3A, %add3A_262 : vector<16xi32>
        %gather3A_264 = tpu.vector_load_idx %arg16[%broadcast_in_dim3A_255, %add3A_263] : memref<32x128xf32, #tpu.memory_space<vmem>>[vector<16xi32>, vector<16xi32>], vector<16xf32>,
        %get3A_265 = arith.constant 0 : index
        %get3A_266 = tpu.vector_load %arg17[%get3A_265] {strides = array<i32>} : memref<64xf32, #tpu.memory_space<vmem>>, vector<16xf32>,
        %mul3A_267 = vector.broadcast %reduce_max3A_260 : f32 to vector<16xf32>
        %mul3A_268 = arith.mulf %gather3A_264, %mul3A_267 : vector<16xf32>
        %add3A_269 = arith.addf %get3A_266, %mul3A_268 : vector<16xf32>
        %swap3A_270 = arith.constant 0 : index
        %swap3A_271 = tpu.vector_load %arg17[%swap3A_270] {strides = array<i32>} : memref<64xf32, #tpu.memory_space<vmem>>, vector<16xf32>,
        tpu.vector_store %arg17[%swap3A_270], %add3A_269 {strides = array<i32>} : memref<64xf32, #tpu.memory_space<vmem>>, vector<16xf32>,
        %add3A_272 = arith.constant 16 : i32
        %add3A_273 = vector.broadcast %add3A_272 : i32 to vector<16xi32>
        %add3A_274 = arith.addi %iota3A, %add3A_273 : vector<16xi32>
        %gather3A_275 = tpu.vector_load_idx %arg16[%broadcast_in_dim3A_255, %add3A_274] : memref<32x128xf32, #tpu.memory_space<vmem>>[vector<16xi32>, vector<16xi32>], vector<16xf32>,
        %get3A_276 = arith.constant 16 : index
        %get3A_277 = tpu.vector_load %arg17[%get3A_276] {strides = array<i32>} : memref<64xf32, #tpu.memory_space<vmem>>, vector<16xf32>,
        %mul3A_278 = vector.broadcast %reduce_max3A_260 : f32 to vector<16xf32>
        %mul3A_279 = arith.mulf %gather3A_275, %mul3A_278 : vector<16xf32>
        %add3A_280 = arith.addf %get3A_277, %mul3A_279 : vector<16xf32>
        %swap3A_281 = arith.constant 16 : index
        %swap3A_282 = tpu.vector_load %arg17[%swap3A_281] {strides = array<i32>} : memref<64xf32, #tpu.memory_space<vmem>>, vector<16xf32>,
        tpu.vector_store %arg17[%swap3A_281], %add3A_280 {strides = array<i32>} : memref<64xf32, #tpu.memory_space<vmem>>, vector<16xf32>,
        %add3A_283 = arith.constant 32 : i32
        %add3A_284 = vector.broadcast %add3A_283 : i32 to vector<16xi32>
        %add3A_285 = arith.addi %iota3A, %add3A_284 : vector<16xi32>
        %gather3A_286 = tpu.vector_load_idx %arg16[%broadcast_in_dim3A_255, %add3A_285] : memref<32x128xf32, #tpu.memory_space<vmem>>[vector<16xi32>, vector<16xi32>], vector<16xf32>,
        %get3A_287 = arith.constant 32 : index
        %get3A_288 = tpu.vector_load %arg17[%get3A_287] {strides = array<i32>} : memref<64xf32, #tpu.memory_space<vmem>>, vector<16xf32>,
        %mul3A_289 = vector.broadcast %reduce_max3A_260 : f32 to vector<16xf32>
        %mul3A_290 = arith.mulf %gather3A_286, %mul3A_289 : vector<16xf32>
        %add3A_291 = arith.addf %get3A_288, %mul3A_290 : vector<16xf32>
        %swap3A_292 = arith.constant 32 : index
        %swap3A_293 = tpu.vector_load %arg17[%swap3A_292] {strides = array<i32>} : memref<64xf32, #tpu.memory_space<vmem>>, vector<16xf32>,
        tpu.vector_store %arg17[%swap3A_292], %add3A_291 {strides = array<i32>} : memref<64xf32, #tpu.memory_space<vmem>>, vector<16xf32>,
        %add3A_294 = arith.constant 48 : i32
        %add3A_295 = vector.broadcast %add3A_294 : i32 to vector<16xi32>
        %add3A_296 = arith.addi %iota3A, %add3A_295 : vector<16xi32>
        %gather3A_297 = tpu.vector_load_idx %arg16[%broadcast_in_dim3A_255, %add3A_296] : memref<32x128xf32, #tpu.memory_space<vmem>>[vector<16xi32>, vector<16xi32>], vector<16xf32>,
        %get3A_298 = arith.constant 48 : index
        %get3A_299 = tpu.vector_load %arg17[%get3A_298] {strides = array<i32>} : memref<64xf32, #tpu.memory_space<vmem>>, vector<16xf32>,
        %mul3A_300 = vector.broadcast %reduce_max3A_260 : f32 to vector<16xf32>
        %mul3A_301 = arith.mulf %gather3A_297, %mul3A_300 : vector<16xf32>
        %add3A_302 = arith.addf %get3A_299, %mul3A_301 : vector<16xf32>
        %swap3A_303 = arith.constant 48 : index
        %swap3A_304 = tpu.vector_load %arg17[%swap3A_303] {strides = array<i32>} : memref<64xf32, #tpu.memory_space<vmem>>, vector<16xf32>,
        tpu.vector_store %arg17[%swap3A_303], %add3A_302 {strides = array<i32>} : memref<64xf32, #tpu.memory_space<vmem>>, vector<16xf32>,
        %scan3A_305 = arith.constant 0 : i32
        scf.yield %scan3A_305 : i32
      }
      %scan3A_148 = arith.constant 32 : i32
      "tpu.region"() ({
        %run_scoped3A = tpu.sem_alloc : memref<!tpu.dma_semaphore, #tpu.memory_space<semaphore_mem>>
        %dma_start3A_253 = arith.constant 0 : i32
        %dma_start3A_254 = tpu.memref_slice %arg6[%add3A_67, %dma_start3A_253] : memref<1024x64xf32, #tpu.memory_space<hbm>> -> memref<1x64xf32, #tpu.memory_space<hbm>>
        %dma_start3A_255 = tpu.memref_squeeze %dma_start3A_254 : memref<1x64xf32, #tpu.memory_space<hbm>> -> memref<64xf32, #tpu.memory_space<hbm>>
        %dma_start3A_256 = arith.constant 0 : i32
        %dma_start3A_257 = tpu.memref_slice %arg6[%add3A_67, %dma_start3A_256] : memref<1024x64xf32, #tpu.memory_space<hbm>> -> memref<1x64xf32, #tpu.memory_space<hbm>>
        %dma_start3A_258 = tpu.memref_squeeze %dma_start3A_257 : memref<1x64xf32, #tpu.memory_space<hbm>> -> memref<64xf32, #tpu.memory_space<hbm>>
        tpu.enqueue_dma source(%arg17 : memref<64xf32, #tpu.memory_space<vmem>>) target(%dma_start3A_258 : memref<64xf32, #tpu.memory_space<hbm>>) target_semaphore(%run_scoped3A : memref<!tpu.dma_semaphore, #tpu.memory_space<semaphore_mem>>)
        %dma_wait3A_259 = arith.constant 0 : i32
        %dma_wait3A_260 = tpu.memref_slice %arg6[%add3A_67, %dma_wait3A_259] : memref<1024x64xf32, #tpu.memory_space<hbm>> -> memref<1x64xf32, #tpu.memory_space<hbm>>
        %dma_wait3A_261 = tpu.memref_squeeze %dma_wait3A_260 : memref<1x64xf32, #tpu.memory_space<hbm>> -> memref<64xf32, #tpu.memory_space<hbm>>
        %dma_wait3A_262 = arith.constant 0 : i32
        %dma_wait3A_263 = tpu.memref_slice %arg6[%add3A_67, %dma_wait3A_262] : memref<1024x64xf32, #tpu.memory_space<hbm>> -> memref<1x64xf32, #tpu.memory_space<hbm>>
        %dma_wait3A_264 = tpu.memref_squeeze %dma_wait3A_263 : memref<1x64xf32, #tpu.memory_space<hbm>> -> memref<64xf32, #tpu.memory_space<hbm>>
        tpu.wait_dma2 semaphore(%run_scoped3A : memref<!tpu.dma_semaphore, #tpu.memory_space<semaphore_mem>>) src(%arg17 : memref<64xf32, #tpu.memory_space<vmem>>) dst(%dma_wait3A_264 : memref<64xf32, #tpu.memory_space<hbm>>)
        tpu.yield
      }) : () -> ()
      %add3A_149 = arith.constant 2 : i32
      %add3A_150 = arith.addi %mul3A_66, %add3A_149 : i32
      %lt3A = arith.constant 32 : i32
      %lt3A_151 = arith.cmpi slt, %add3A_150, %lt3A : i32
      %convert_element_type3A = arith.extui %lt3A_151 : i1 to i32
      %cond3A = arith.constant 0 : i32
      %cond3A_152 = arith.cmpi ne, %convert_element_type3A, %cond3A : i32
      scf.if %cond3A_152 {
        %add3A_253 = arith.constant 2 : i32
        %add3A_254 = arith.addi %mul3A_66, %add3A_253 : i32
        %broadcast_in_dim3A_255 = vector.broadcast %add3A_254 : i32 to vector<16xi32>
        %add3A_256 = arith.constant 0 : i32
        %add3A_257 = vector.broadcast %add3A_256 : i32 to vector<16xi32>
        %add3A_258 = arith.addi %iota3A, %add3A_257 : vector<16xi32>
        %gather3A_259 = tpu.vector_load_idx %arg7[%broadcast_in_dim3A_255, %add3A_258] : memref<32x32xi32, #tpu.memory_space<vmem>>[vector<16xi32>, vector<16xi32>], vector<16xi32>,
        %add3A_260 = arith.addi %mul3A_2, %add3A_254 : i32
        %mul3A_261 = arith.constant 784 : i32
        %mul3A_262 = arith.muli %add3A_260, %mul3A_261 : i32
        %add3A_263 = vector.broadcast %mul3A_262 : i32 to vector<16xi32>
        %add3A_264 = arith.addi %gather3A_259, %add3A_263 : vector<16xi32>
        %swap3A_265 = arith.constant 0 : index
        %swap3A_266 = tpu.vector_load %arg9[%swap3A_265] {strides = array<i32>} : memref<32xi32, #tpu.memory_space<vmem>>, vector<16xi32>,
        tpu.vector_store %arg9[%swap3A_265], %add3A_264 {strides = array<i32>} : memref<32xi32, #tpu.memory_space<vmem>>, vector<16xi32>,
        %add3A_267 = arith.constant 16 : i32
        %add3A_268 = vector.broadcast %add3A_267 : i32 to vector<16xi32>
        %add3A_269 = arith.addi %iota3A, %add3A_268 : vector<16xi32>
        %gather3A_270 = tpu.vector_load_idx %arg7[%broadcast_in_dim3A_255, %add3A_269] : memref<32x32xi32, #tpu.memory_space<vmem>>[vector<16xi32>, vector<16xi32>], vector<16xi32>,
        %add3A_271 = arith.addi %mul3A_2, %add3A_254 : i32
        %mul3A_272 = arith.constant 784 : i32
        %mul3A_273 = arith.muli %add3A_271, %mul3A_272 : i32
        %add3A_274 = vector.broadcast %mul3A_273 : i32 to vector<16xi32>
        %add3A_275 = arith.addi %gather3A_270, %add3A_274 : vector<16xi32>
        %swap3A_276 = arith.constant 16 : index
        %swap3A_277 = tpu.vector_load %arg9[%swap3A_276] {strides = array<i32>} : memref<32xi32, #tpu.memory_space<vmem>>, vector<16xi32>,
        tpu.vector_store %arg9[%swap3A_276], %add3A_275 {strides = array<i32>} : memref<32xi32, #tpu.memory_space<vmem>>, vector<16xi32>,
        %dma_start3A_278 = arith.constant 0 : i32
        %dma_start3A_279 = arith.constant 0 : i32
        %dma_start3A_280 = tpu.memref_slice %arg2[%dma_start3A_278, %dma_start3A_279] : memref<802816x128xf32, #tpu.memory_space<hbm>> -> memref<802816x128xf32, #tpu.memory_space<hbm>>
        tpu.enqueue_indirect_dma source(%dma_start3A_280 : memref<802816x128xf32, #tpu.memory_space<hbm>>) target(%arg11 : memref<32x128xf32, #tpu.memory_space<vmem>>) offsets(%arg9 : memref<32xi32, #tpu.memory_space<vmem>>) semaphore(%arg18 : memref<!tpu.dma_semaphore, #tpu.memory_space<semaphore_mem>>)
      } else {
      }
      %add3A_153 = arith.constant 1 : i32
      %add3A_154 = arith.addi %mul3A_66, %add3A_153 : i32
      %add3A_155 = arith.addi %mul3A_2, %add3A_154 : i32
      %broadcast_in_dim3A_156 = vector.broadcast %add3A_154 : i32 to vector<16xi32>
      %dma_wait3A_157 = arith.constant 0 : i32
      %dma_wait3A_158 = arith.constant 0 : i32
      %dma_wait3A_159 = tpu.memref_slice %arg2[%dma_wait3A_157, %dma_wait3A_158] : memref<802816x128xf32, #tpu.memory_space<hbm>> -> memref<802816x128xf32, #tpu.memory_space<hbm>>
      tpu.wait_indirect_dma semaphore(%arg19 : memref<!tpu.dma_semaphore, #tpu.memory_space<semaphore_mem>>) src(%dma_wait3A_159 : memref<802816x128xf32, #tpu.memory_space<hbm>>) dst(%arg12 : memref<32x128xf32, #tpu.memory_space<vmem>>)
      %add3A_160 = arith.constant 0 : i32
      %add3A_161 = vector.broadcast %add3A_160 : i32 to vector<16xi32>
      %add3A_162 = arith.addi %iota3A, %add3A_161 : vector<16xi32>
      %gather3A_163 = tpu.vector_load_idx %arg8[%broadcast_in_dim3A_156, %add3A_162] : memref<32x32xf32, #tpu.memory_space<vmem>>[vector<16xi32>, vector<16xi32>], vector<16xf32>,
      %swap3A_164 = arith.constant 0 : index
      %swap3A_165 = tpu.vector_load %arg13[%swap3A_164] {strides = array<i32>} : memref<32xf32, #tpu.memory_space<vmem>>, vector<16xf32>,
      tpu.vector_store %arg13[%swap3A_164], %gather3A_163 {strides = array<i32>} : memref<32xf32, #tpu.memory_space<vmem>>, vector<16xf32>,
      %add3A_166 = arith.constant 16 : i32
      %add3A_167 = vector.broadcast %add3A_166 : i32 to vector<16xi32>
      %add3A_168 = arith.addi %iota3A, %add3A_167 : vector<16xi32>
      %gather3A_169 = tpu.vector_load_idx %arg8[%broadcast_in_dim3A_156, %add3A_168] : memref<32x32xf32, #tpu.memory_space<vmem>>[vector<16xi32>, vector<16xi32>], vector<16xf32>,
      %swap3A_170 = arith.constant 16 : index
      %swap3A_171 = tpu.vector_load %arg13[%swap3A_170] {strides = array<i32>} : memref<32xf32, #tpu.memory_space<vmem>>, vector<16xf32>,
      tpu.vector_store %arg13[%swap3A_170], %gather3A_169 {strides = array<i32>} : memref<32xf32, #tpu.memory_space<vmem>>, vector<16xf32>,
      %scan3A_172 = arith.constant 0 : i32
      %scan3A_173 = arith.constant 0 : i32
      %scan3A_174 = arith.constant 32 : i32
      %scan3A_175 = arith.addi %scan3A_173, %scan3A_174 : i32
      %scan3A_176 = arith.constant 1 : i32
      %scan3A_177 = scf.for %scan3A_253 = %scan3A_173 to %scan3A_175 step %scan3A_176 iter_args(%scan3A_254 = %scan3A_172) -> (i32)  : i32 {
        %get3A_255 = arith.constant 0 : index
        %get3A_256 = tpu.vector_load %arg13[%get3A_255] {strides = array<i32>} : memref<32xf32, #tpu.memory_space<vmem>>, vector<16xf32>,
        %get3A_257 = arith.constant 16 : index
        %get3A_258 = tpu.vector_load %arg13[%get3A_257] {strides = array<i32>} : memref<32xf32, #tpu.memory_space<vmem>>, vector<16xf32>,
        %max3A_259 = arith.maximumf %get3A_256, %get3A_258 : vector<16xf32>
        %reduce_max3A_260 = arith.constant true
        %reduce_max3A_261 = vector.broadcast %reduce_max3A_260 : i1 to vector<16xi1>
        %reduce_max3A_262 = tpu.scan <max>, %max3A_259 masked %reduce_max3A_261 : vector<16xf32>, vector<16xi1> -> vector<16xf32>
        %reduce_max3A_263 = vector.extract %reduce_max3A_262[15] : f32 from vector<16xf32>
        %eq3A = vector.broadcast %reduce_max3A_263 : f32 to vector<16xf32>
        %eq3A_264 = arith.cmpf oeq, %get3A_256, %eq3A : vector<16xf32>
        %all_reduce_ffs3A = tpu.all_reduce %eq3A_264 {dim = 0 : i64, kind = #tpu.reduction_kind<find_first_set>} : vector<16xi1> -> vector<16xi32>
        %reduce_min3A = arith.constant true
        %reduce_min3A_265 = vector.broadcast %reduce_min3A : i1 to vector<16xi1>
        %reduce_min3A_266 = arith.constant -2147483648 : i32
        %reduce_min3A_267 = vector.broadcast %reduce_min3A_266 : i32 to vector<16xi32>
        %reduce_min3A_268 = arith.xori %all_reduce_ffs3A, %reduce_min3A_267 : vector<16xi32>
        %reduce_min3A_269 = tpu.scan <min>, %reduce_min3A_268 masked %reduce_min3A_265 : vector<16xi32>, vector<16xi1> -> vector<16xi32>
        %reduce_min3A_270 = arith.xori %reduce_min3A_269, %reduce_min3A_267 : vector<16xi32>
        %reduce_min3A_271 = vector.extract %reduce_min3A_270[15] : i32 from vector<16xi32>
        %eq3A_272 = vector.broadcast %reduce_max3A_263 : f32 to vector<16xf32>
        %eq3A_273 = arith.cmpf oeq, %get3A_258, %eq3A_272 : vector<16xf32>
        %all_reduce_ffs3A_274 = tpu.all_reduce %eq3A_273 {dim = 0 : i64, kind = #tpu.reduction_kind<find_first_set>} : vector<16xi1> -> vector<16xi32>
        %reduce_min3A_275 = arith.constant true
        %reduce_min3A_276 = vector.broadcast %reduce_min3A_275 : i1 to vector<16xi1>
        %reduce_min3A_277 = arith.constant -2147483648 : i32
        %reduce_min3A_278 = vector.broadcast %reduce_min3A_277 : i32 to vector<16xi32>
        %reduce_min3A_279 = arith.xori %all_reduce_ffs3A_274, %reduce_min3A_278 : vector<16xi32>
        %reduce_min3A_280 = tpu.scan <min>, %reduce_min3A_279 masked %reduce_min3A_276 : vector<16xi32>, vector<16xi1> -> vector<16xi32>
        %reduce_min3A_281 = arith.xori %reduce_min3A_280, %reduce_min3A_278 : vector<16xi32>
        %reduce_min3A_282 = vector.extract %reduce_min3A_281[15] : i32 from vector<16xi32>
        %lt3A_283 = arith.constant 16 : i32
        %lt3A_284 = arith.cmpi slt, %reduce_min3A_271, %lt3A_283 : i32
        %add3A_285 = arith.constant 16 : i32
        %add3A_286 = arith.addi %reduce_min3A_282, %add3A_285 : i32
        %select_n3A = arith.select %lt3A_284, %reduce_min3A_271, %add3A_286 : i32
        %broadcast_in_dim3A_287 = vector.broadcast %select_n3A : i32 to vector<16xi32>
        %add3A_288 = arith.constant 0 : i32
        %add3A_289 = vector.broadcast %add3A_288 : i32 to vector<16xi32>
        %add3A_290 = arith.addi %iota3A, %add3A_289 : vector<16xi32>
        %gather3A_291 = tpu.vector_load_idx %arg12[%broadcast_in_dim3A_287, %add3A_290] : memref<32x128xf32, #tpu.memory_space<vmem>>[vector<16xi32>, vector<16xi32>], vector<16xf32>,
        %eq3A_292 = vector.broadcast %reduce_max3A_263 : f32 to vector<16xf32>
        %eq3A_293 = arith.cmpf oeq, %gather3A_291, %eq3A_292 : vector<16xf32>
        %all_reduce_ffs3A_294 = tpu.all_reduce %eq3A_293 {dim = 0 : i64, kind = #tpu.reduction_kind<find_first_set>} : vector<16xi1> -> vector<16xi32>
        %reduce_min3A_295 = arith.constant true
        %reduce_min3A_296 = vector.broadcast %reduce_min3A_295 : i1 to vector<16xi1>
        %reduce_min3A_297 = arith.constant -2147483648 : i32
        %reduce_min3A_298 = vector.broadcast %reduce_min3A_297 : i32 to vector<16xi32>
        %reduce_min3A_299 = arith.xori %all_reduce_ffs3A_294, %reduce_min3A_298 : vector<16xi32>
        %reduce_min3A_300 = tpu.scan <min>, %reduce_min3A_299 masked %reduce_min3A_296 : vector<16xi32>, vector<16xi1> -> vector<16xi32>
        %reduce_min3A_301 = arith.xori %reduce_min3A_300, %reduce_min3A_298 : vector<16xi32>
        %reduce_min3A_302 = vector.extract %reduce_min3A_301[15] : i32 from vector<16xi32>
        %lt3A_303 = arith.constant 16 : i32
        %lt3A_304 = arith.cmpi slt, %reduce_min3A_302, %lt3A_303 : i32
        %add3A_305 = arith.constant 0 : i32
        %add3A_306 = arith.addi %add3A_305, %reduce_min3A_302 : i32
        %jit3A = arith.constant 1048576 : i32
        %select_n3A_307 = arith.select %lt3A_304, %add3A_306, %jit3A : i32
        %min3A = arith.constant 1048576 : i32
        %min3A_308 = arith.minsi %min3A, %select_n3A_307 : i32
        %add3A_309 = arith.constant 16 : i32
        %add3A_310 = vector.broadcast %add3A_309 : i32 to vector<16xi32>
        %add3A_311 = arith.addi %iota3A, %add3A_310 : vector<16xi32>
        %gather3A_312 = tpu.vector_load_idx %arg12[%broadcast_in_dim3A_287, %add3A_311] : memref<32x128xf32, #tpu.memory_space<vmem>>[vector<16xi32>, vector<16xi32>], vector<16xf32>,
        %eq3A_313 = vector.broadcast %reduce_max3A_263 : f32 to vector<16xf32>
        %eq3A_314 = arith.cmpf oeq, %gather3A_312, %eq3A_313 : vector<16xf32>
        %all_reduce_ffs3A_315 = tpu.all_reduce %eq3A_314 {dim = 0 : i64, kind = #tpu.reduction_kind<find_first_set>} : vector<16xi1> -> vector<16xi32>
        %reduce_min3A_316 = arith.constant true
        %reduce_min3A_317 = vector.broadcast %reduce_min3A_316 : i1 to vector<16xi1>
        %reduce_min3A_318 = arith.constant -2147483648 : i32
        %reduce_min3A_319 = vector.broadcast %reduce_min3A_318 : i32 to vector<16xi32>
        %reduce_min3A_320 = arith.xori %all_reduce_ffs3A_315, %reduce_min3A_319 : vector<16xi32>
        %reduce_min3A_321 = tpu.scan <min>, %reduce_min3A_320 masked %reduce_min3A_317 : vector<16xi32>, vector<16xi1> -> vector<16xi32>
        %reduce_min3A_322 = arith.xori %reduce_min3A_321, %reduce_min3A_319 : vector<16xi32>
        %reduce_min3A_323 = vector.extract %reduce_min3A_322[15] : i32 from vector<16xi32>
        %lt3A_324 = arith.constant 16 : i32
        %lt3A_325 = arith.cmpi slt, %reduce_min3A_323, %lt3A_324 : i32
        %add3A_326 = arith.constant 16 : i32
        %add3A_327 = arith.addi %add3A_326, %reduce_min3A_323 : i32
        %jit3A_328 = arith.constant 1048576 : i32
        %select_n3A_329 = arith.select %lt3A_325, %add3A_327, %jit3A_328 : i32
        %min3A_330 = arith.minsi %min3A_308, %select_n3A_329 : i32
        %add3A_331 = arith.constant 32 : i32
        %add3A_332 = vector.broadcast %add3A_331 : i32 to vector<16xi32>
        %add3A_333 = arith.addi %iota3A, %add3A_332 : vector<16xi32>
        %gather3A_334 = tpu.vector_load_idx %arg12[%broadcast_in_dim3A_287, %add3A_333] : memref<32x128xf32, #tpu.memory_space<vmem>>[vector<16xi32>, vector<16xi32>], vector<16xf32>,
        %eq3A_335 = vector.broadcast %reduce_max3A_263 : f32 to vector<16xf32>
        %eq3A_336 = arith.cmpf oeq, %gather3A_334, %eq3A_335 : vector<16xf32>
        %all_reduce_ffs3A_337 = tpu.all_reduce %eq3A_336 {dim = 0 : i64, kind = #tpu.reduction_kind<find_first_set>} : vector<16xi1> -> vector<16xi32>
        %reduce_min3A_338 = arith.constant true
        %reduce_min3A_339 = vector.broadcast %reduce_min3A_338 : i1 to vector<16xi1>
        %reduce_min3A_340 = arith.constant -2147483648 : i32
        %reduce_min3A_341 = vector.broadcast %reduce_min3A_340 : i32 to vector<16xi32>
        %reduce_min3A_342 = arith.xori %all_reduce_ffs3A_337, %reduce_min3A_341 : vector<16xi32>
        %reduce_min3A_343 = tpu.scan <min>, %reduce_min3A_342 masked %reduce_min3A_339 : vector<16xi32>, vector<16xi1> -> vector<16xi32>
        %reduce_min3A_344 = arith.xori %reduce_min3A_343, %reduce_min3A_341 : vector<16xi32>
        %reduce_min3A_345 = vector.extract %reduce_min3A_344[15] : i32 from vector<16xi32>
        %lt3A_346 = arith.constant 16 : i32
        %lt3A_347 = arith.cmpi slt, %reduce_min3A_345, %lt3A_346 : i32
        %add3A_348 = arith.constant 32 : i32
        %add3A_349 = arith.addi %add3A_348, %reduce_min3A_345 : i32
        %jit3A_350 = arith.constant 1048576 : i32
        %select_n3A_351 = arith.select %lt3A_347, %add3A_349, %jit3A_350 : i32
        %min3A_352 = arith.minsi %min3A_330, %select_n3A_351 : i32
        %add3A_353 = arith.constant 48 : i32
        %add3A_354 = vector.broadcast %add3A_353 : i32 to vector<16xi32>
        %add3A_355 = arith.addi %iota3A, %add3A_354 : vector<16xi32>
        %gather3A_356 = tpu.vector_load_idx %arg12[%broadcast_in_dim3A_287, %add3A_355] : memref<32x128xf32, #tpu.memory_space<vmem>>[vector<16xi32>, vector<16xi32>], vector<16xf32>,
        %eq3A_357 = vector.broadcast %reduce_max3A_263 : f32 to vector<16xf32>
        %eq3A_358 = arith.cmpf oeq, %gather3A_356, %eq3A_357 : vector<16xf32>
        %all_reduce_ffs3A_359 = tpu.all_reduce %eq3A_358 {dim = 0 : i64, kind = #tpu.reduction_kind<find_first_set>} : vector<16xi1> -> vector<16xi32>
        %reduce_min3A_360 = arith.constant true
        %reduce_min3A_361 = vector.broadcast %reduce_min3A_360 : i1 to vector<16xi1>
        %reduce_min3A_362 = arith.constant -2147483648 : i32
        %reduce_min3A_363 = vector.broadcast %reduce_min3A_362 : i32 to vector<16xi32>
        %reduce_min3A_364 = arith.xori %all_reduce_ffs3A_359, %reduce_min3A_363 : vector<16xi32>
        %reduce_min3A_365 = tpu.scan <min>, %reduce_min3A_364 masked %reduce_min3A_361 : vector<16xi32>, vector<16xi1> -> vector<16xi32>
        %reduce_min3A_366 = arith.xori %reduce_min3A_365, %reduce_min3A_363 : vector<16xi32>
        %reduce_min3A_367 = vector.extract %reduce_min3A_366[15] : i32 from vector<16xi32>
        %lt3A_368 = arith.constant 16 : i32
        %lt3A_369 = arith.cmpi slt, %reduce_min3A_367, %lt3A_368 : i32
        %add3A_370 = arith.constant 48 : i32
        %add3A_371 = arith.addi %add3A_370, %reduce_min3A_367 : i32
        %jit3A_372 = arith.constant 1048576 : i32
        %select_n3A_373 = arith.select %lt3A_369, %add3A_371, %jit3A_372 : i32
        %min3A_374 = arith.minsi %min3A_352, %select_n3A_373 : i32
        %add3A_375 = arith.constant 64 : i32
        %add3A_376 = vector.broadcast %add3A_375 : i32 to vector<16xi32>
        %add3A_377 = arith.addi %iota3A, %add3A_376 : vector<16xi32>
        %gather3A_378 = tpu.vector_load_idx %arg12[%broadcast_in_dim3A_287, %add3A_377] : memref<32x128xf32, #tpu.memory_space<vmem>>[vector<16xi32>, vector<16xi32>], vector<16xf32>,
        %eq3A_379 = vector.broadcast %reduce_max3A_263 : f32 to vector<16xf32>
        %eq3A_380 = arith.cmpf oeq, %gather3A_378, %eq3A_379 : vector<16xf32>
        %all_reduce_ffs3A_381 = tpu.all_reduce %eq3A_380 {dim = 0 : i64, kind = #tpu.reduction_kind<find_first_set>} : vector<16xi1> -> vector<16xi32>
        %reduce_min3A_382 = arith.constant true
        %reduce_min3A_383 = vector.broadcast %reduce_min3A_382 : i1 to vector<16xi1>
        %reduce_min3A_384 = arith.constant -2147483648 : i32
        %reduce_min3A_385 = vector.broadcast %reduce_min3A_384 : i32 to vector<16xi32>
        %reduce_min3A_386 = arith.xori %all_reduce_ffs3A_381, %reduce_min3A_385 : vector<16xi32>
        %reduce_min3A_387 = tpu.scan <min>, %reduce_min3A_386 masked %reduce_min3A_383 : vector<16xi32>, vector<16xi1> -> vector<16xi32>
        %reduce_min3A_388 = arith.xori %reduce_min3A_387, %reduce_min3A_385 : vector<16xi32>
        %reduce_min3A_389 = vector.extract %reduce_min3A_388[15] : i32 from vector<16xi32>
        %lt3A_390 = arith.constant 16 : i32
        %lt3A_391 = arith.cmpi slt, %reduce_min3A_389, %lt3A_390 : i32
        %add3A_392 = arith.constant 64 : i32
        %add3A_393 = arith.addi %add3A_392, %reduce_min3A_389 : i32
        %jit3A_394 = arith.constant 1048576 : i32
        %select_n3A_395 = arith.select %lt3A_391, %add3A_393, %jit3A_394 : i32
        %min3A_396 = arith.minsi %min3A_374, %select_n3A_395 : i32
        %add3A_397 = arith.constant 80 : i32
        %add3A_398 = vector.broadcast %add3A_397 : i32 to vector<16xi32>
        %add3A_399 = arith.addi %iota3A, %add3A_398 : vector<16xi32>
        %gather3A_400 = tpu.vector_load_idx %arg12[%broadcast_in_dim3A_287, %add3A_399] : memref<32x128xf32, #tpu.memory_space<vmem>>[vector<16xi32>, vector<16xi32>], vector<16xf32>,
        %eq3A_401 = vector.broadcast %reduce_max3A_263 : f32 to vector<16xf32>
        %eq3A_402 = arith.cmpf oeq, %gather3A_400, %eq3A_401 : vector<16xf32>
        %all_reduce_ffs3A_403 = tpu.all_reduce %eq3A_402 {dim = 0 : i64, kind = #tpu.reduction_kind<find_first_set>} : vector<16xi1> -> vector<16xi32>
        %reduce_min3A_404 = arith.constant true
        %reduce_min3A_405 = vector.broadcast %reduce_min3A_404 : i1 to vector<16xi1>
        %reduce_min3A_406 = arith.constant -2147483648 : i32
        %reduce_min3A_407 = vector.broadcast %reduce_min3A_406 : i32 to vector<16xi32>
        %reduce_min3A_408 = arith.xori %all_reduce_ffs3A_403, %reduce_min3A_407 : vector<16xi32>
        %reduce_min3A_409 = tpu.scan <min>, %reduce_min3A_408 masked %reduce_min3A_405 : vector<16xi32>, vector<16xi1> -> vector<16xi32>
        %reduce_min3A_410 = arith.xori %reduce_min3A_409, %reduce_min3A_407 : vector<16xi32>
        %reduce_min3A_411 = vector.extract %reduce_min3A_410[15] : i32 from vector<16xi32>
        %lt3A_412 = arith.constant 16 : i32
        %lt3A_413 = arith.cmpi slt, %reduce_min3A_411, %lt3A_412 : i32
        %add3A_414 = arith.constant 80 : i32
        %add3A_415 = arith.addi %add3A_414, %reduce_min3A_411 : i32
        %jit3A_416 = arith.constant 1048576 : i32
        %select_n3A_417 = arith.select %lt3A_413, %add3A_415, %jit3A_416 : i32
        %min3A_418 = arith.minsi %min3A_396, %select_n3A_417 : i32
        %add3A_419 = arith.constant 96 : i32
        %add3A_420 = vector.broadcast %add3A_419 : i32 to vector<16xi32>
        %add3A_421 = arith.addi %iota3A, %add3A_420 : vector<16xi32>
        %gather3A_422 = tpu.vector_load_idx %arg12[%broadcast_in_dim3A_287, %add3A_421] : memref<32x128xf32, #tpu.memory_space<vmem>>[vector<16xi32>, vector<16xi32>], vector<16xf32>,
        %eq3A_423 = vector.broadcast %reduce_max3A_263 : f32 to vector<16xf32>
        %eq3A_424 = arith.cmpf oeq, %gather3A_422, %eq3A_423 : vector<16xf32>
        %all_reduce_ffs3A_425 = tpu.all_reduce %eq3A_424 {dim = 0 : i64, kind = #tpu.reduction_kind<find_first_set>} : vector<16xi1> -> vector<16xi32>
        %reduce_min3A_426 = arith.constant true
        %reduce_min3A_427 = vector.broadcast %reduce_min3A_426 : i1 to vector<16xi1>
        %reduce_min3A_428 = arith.constant -2147483648 : i32
        %reduce_min3A_429 = vector.broadcast %reduce_min3A_428 : i32 to vector<16xi32>
        %reduce_min3A_430 = arith.xori %all_reduce_ffs3A_425, %reduce_min3A_429 : vector<16xi32>
        %reduce_min3A_431 = tpu.scan <min>, %reduce_min3A_430 masked %reduce_min3A_427 : vector<16xi32>, vector<16xi1> -> vector<16xi32>
        %reduce_min3A_432 = arith.xori %reduce_min3A_431, %reduce_min3A_429 : vector<16xi32>
        %reduce_min3A_433 = vector.extract %reduce_min3A_432[15] : i32 from vector<16xi32>
        %lt3A_434 = arith.constant 16 : i32
        %lt3A_435 = arith.cmpi slt, %reduce_min3A_433, %lt3A_434 : i32
        %add3A_436 = arith.constant 96 : i32
        %add3A_437 = arith.addi %add3A_436, %reduce_min3A_433 : i32
        %jit3A_438 = arith.constant 1048576 : i32
        %select_n3A_439 = arith.select %lt3A_435, %add3A_437, %jit3A_438 : i32
        %min3A_440 = arith.minsi %min3A_418, %select_n3A_439 : i32
        %add3A_441 = arith.constant 112 : i32
        %add3A_442 = vector.broadcast %add3A_441 : i32 to vector<16xi32>
        %add3A_443 = arith.addi %iota3A, %add3A_442 : vector<16xi32>
        %gather3A_444 = tpu.vector_load_idx %arg12[%broadcast_in_dim3A_287, %add3A_443] : memref<32x128xf32, #tpu.memory_space<vmem>>[vector<16xi32>, vector<16xi32>], vector<16xf32>,
        %eq3A_445 = vector.broadcast %reduce_max3A_263 : f32 to vector<16xf32>
        %eq3A_446 = arith.cmpf oeq, %gather3A_444, %eq3A_445 : vector<16xf32>
        %all_reduce_ffs3A_447 = tpu.all_reduce %eq3A_446 {dim = 0 : i64, kind = #tpu.reduction_kind<find_first_set>} : vector<16xi1> -> vector<16xi32>
        %reduce_min3A_448 = arith.constant true
        %reduce_min3A_449 = vector.broadcast %reduce_min3A_448 : i1 to vector<16xi1>
        %reduce_min3A_450 = arith.constant -2147483648 : i32
        %reduce_min3A_451 = vector.broadcast %reduce_min3A_450 : i32 to vector<16xi32>
        %reduce_min3A_452 = arith.xori %all_reduce_ffs3A_447, %reduce_min3A_451 : vector<16xi32>
        %reduce_min3A_453 = tpu.scan <min>, %reduce_min3A_452 masked %reduce_min3A_449 : vector<16xi32>, vector<16xi1> -> vector<16xi32>
        %reduce_min3A_454 = arith.xori %reduce_min3A_453, %reduce_min3A_451 : vector<16xi32>
        %reduce_min3A_455 = vector.extract %reduce_min3A_454[15] : i32 from vector<16xi32>
        %lt3A_456 = arith.constant 16 : i32
        %lt3A_457 = arith.cmpi slt, %reduce_min3A_455, %lt3A_456 : i32
        %add3A_458 = arith.constant 112 : i32
        %add3A_459 = arith.addi %add3A_458, %reduce_min3A_455 : i32
        %jit3A_460 = arith.constant 1048576 : i32
        %select_n3A_461 = arith.select %lt3A_457, %add3A_459, %jit3A_460 : i32
        %min3A_462 = arith.minsi %min3A_440, %select_n3A_461 : i32
        %eq3A_463 = arith.constant 0 : i32
        %eq3A_464 = vector.broadcast %eq3A_463 : i32 to vector<16xi32>
        %eq3A_465 = arith.cmpi eq, %iota3A, %eq3A_464 : vector<16xi32>
        %broadcast_in_dim3A_466 = vector.broadcast %scan3A_253 : i32 to vector<16xi32>
        %broadcast_in_dim3A_467 = vector.broadcast %reduce_max3A_263 : f32 to vector<16xf32>
        tpu.vector_store_idx %arg14[%broadcast_in_dim3A_466], %broadcast_in_dim3A_467 masked %eq3A_465 : memref<32xf32, #tpu.memory_space<vmem>>[vector<16xi32>], vector<16xf32>, vector<16xi1>
        %gather3A_468 = tpu.vector_load_idx %arg7[%broadcast_in_dim3A_156, %broadcast_in_dim3A_287] : memref<32x32xi32, #tpu.memory_space<vmem>>[vector<16xi32>, vector<16xi32>], vector<16xi32>,
        %reduce_max3A_469 = arith.constant true
        %reduce_max3A_470 = vector.broadcast %reduce_max3A_469 : i1 to vector<16xi1>
        %reduce_max3A_471 = arith.constant -2147483648 : i32
        %reduce_max3A_472 = vector.broadcast %reduce_max3A_471 : i32 to vector<16xi32>
        %reduce_max3A_473 = arith.xori %gather3A_468, %reduce_max3A_472 : vector<16xi32>
        %reduce_max3A_474 = tpu.scan <max>, %reduce_max3A_473 masked %reduce_max3A_470 : vector<16xi32>, vector<16xi1> -> vector<16xi32>
        %reduce_max3A_475 = arith.xori %reduce_max3A_474, %reduce_max3A_472 : vector<16xi32>
        %reduce_max3A_476 = vector.extract %reduce_max3A_475[15] : i32 from vector<16xi32>
        %broadcast_in_dim3A_477 = vector.broadcast %scan3A_253 : i32 to vector<16xi32>
        %mul3A_478 = arith.constant 128 : i32
        %mul3A_479 = arith.muli %reduce_max3A_476, %mul3A_478 : i32
        %add3A_480 = arith.addi %mul3A_479, %min3A_462 : i32
        %broadcast_in_dim3A_481 = vector.broadcast %add3A_480 : i32 to vector<16xi32>
        tpu.vector_store_idx %arg15[%broadcast_in_dim3A_477], %broadcast_in_dim3A_481 masked %eq3A_465 : memref<32xi32, #tpu.memory_space<vmem>>[vector<16xi32>], vector<16xi32>, vector<16xi1>
        %broadcast_in_dim3A_482 = vector.broadcast %min3A_462 : i32 to vector<16xi32>
        %broadcast_in_dim3A_483 = arith.constant -1.000000e+30 : f32
        %broadcast_in_dim3A_484 = vector.broadcast %broadcast_in_dim3A_483 : f32 to vector<16xf32>
        tpu.vector_store_idx %arg12[%broadcast_in_dim3A_287, %broadcast_in_dim3A_482], %broadcast_in_dim3A_484 masked %eq3A_465 : memref<32x128xf32, #tpu.memory_space<vmem>>[vector<16xi32>, vector<16xi32>], vector<16xf32>, vector<16xi1>
        %broadcast_in_dim3A_485 = arith.constant -3.000000e+38 : f32
        %broadcast_in_dim3A_486 = vector.broadcast %broadcast_in_dim3A_485 : f32 to vector<16xf32>
        %add3A_487 = arith.constant 0 : i32
        %add3A_488 = vector.broadcast %add3A_487 : i32 to vector<16xi32>
        %add3A_489 = arith.addi %iota3A, %add3A_488 : vector<16xi32>
        %gather3A_490 = tpu.vector_load_idx %arg12[%broadcast_in_dim3A_287, %add3A_489] : memref<32x128xf32, #tpu.memory_space<vmem>>[vector<16xi32>, vector<16xi32>], vector<16xf32>,
        %max3A_491 = arith.maximumf %broadcast_in_dim3A_486, %gather3A_490 : vector<16xf32>
        %add3A_492 = arith.constant 16 : i32
        %add3A_493 = vector.broadcast %add3A_492 : i32 to vector<16xi32>
        %add3A_494 = arith.addi %iota3A, %add3A_493 : vector<16xi32>
        %gather3A_495 = tpu.vector_load_idx %arg12[%broadcast_in_dim3A_287, %add3A_494] : memref<32x128xf32, #tpu.memory_space<vmem>>[vector<16xi32>, vector<16xi32>], vector<16xf32>,
        %max3A_496 = arith.maximumf %max3A_491, %gather3A_495 : vector<16xf32>
        %add3A_497 = arith.constant 32 : i32
        %add3A_498 = vector.broadcast %add3A_497 : i32 to vector<16xi32>
        %add3A_499 = arith.addi %iota3A, %add3A_498 : vector<16xi32>
        %gather3A_500 = tpu.vector_load_idx %arg12[%broadcast_in_dim3A_287, %add3A_499] : memref<32x128xf32, #tpu.memory_space<vmem>>[vector<16xi32>, vector<16xi32>], vector<16xf32>,
        %max3A_501 = arith.maximumf %max3A_496, %gather3A_500 : vector<16xf32>
        %add3A_502 = arith.constant 48 : i32
        %add3A_503 = vector.broadcast %add3A_502 : i32 to vector<16xi32>
        %add3A_504 = arith.addi %iota3A, %add3A_503 : vector<16xi32>
        %gather3A_505 = tpu.vector_load_idx %arg12[%broadcast_in_dim3A_287, %add3A_504] : memref<32x128xf32, #tpu.memory_space<vmem>>[vector<16xi32>, vector<16xi32>], vector<16xf32>,
        %max3A_506 = arith.maximumf %max3A_501, %gather3A_505 : vector<16xf32>
        %add3A_507 = arith.constant 64 : i32
        %add3A_508 = vector.broadcast %add3A_507 : i32 to vector<16xi32>
        %add3A_509 = arith.addi %iota3A, %add3A_508 : vector<16xi32>
        %gather3A_510 = tpu.vector_load_idx %arg12[%broadcast_in_dim3A_287, %add3A_509] : memref<32x128xf32, #tpu.memory_space<vmem>>[vector<16xi32>, vector<16xi32>], vector<16xf32>,
        %max3A_511 = arith.maximumf %max3A_506, %gather3A_510 : vector<16xf32>
        %add3A_512 = arith.constant 80 : i32
        %add3A_513 = vector.broadcast %add3A_512 : i32 to vector<16xi32>
        %add3A_514 = arith.addi %iota3A, %add3A_513 : vector<16xi32>
        %gather3A_515 = tpu.vector_load_idx %arg12[%broadcast_in_dim3A_287, %add3A_514] : memref<32x128xf32, #tpu.memory_space<vmem>>[vector<16xi32>, vector<16xi32>], vector<16xf32>,
        %max3A_516 = arith.maximumf %max3A_511, %gather3A_515 : vector<16xf32>
        %add3A_517 = arith.constant 96 : i32
        %add3A_518 = vector.broadcast %add3A_517 : i32 to vector<16xi32>
        %add3A_519 = arith.addi %iota3A, %add3A_518 : vector<16xi32>
        %gather3A_520 = tpu.vector_load_idx %arg12[%broadcast_in_dim3A_287, %add3A_519] : memref<32x128xf32, #tpu.memory_space<vmem>>[vector<16xi32>, vector<16xi32>], vector<16xf32>,
        %max3A_521 = arith.maximumf %max3A_516, %gather3A_520 : vector<16xf32>
        %add3A_522 = arith.constant 112 : i32
        %add3A_523 = vector.broadcast %add3A_522 : i32 to vector<16xi32>
        %add3A_524 = arith.addi %iota3A, %add3A_523 : vector<16xi32>
        %gather3A_525 = tpu.vector_load_idx %arg12[%broadcast_in_dim3A_287, %add3A_524] : memref<32x128xf32, #tpu.memory_space<vmem>>[vector<16xi32>, vector<16xi32>], vector<16xf32>,
        %max3A_526 = arith.maximumf %max3A_521, %gather3A_525 : vector<16xf32>
        %reduce_max3A_527 = arith.constant true
        %reduce_max3A_528 = vector.broadcast %reduce_max3A_527 : i1 to vector<16xi1>
        %reduce_max3A_529 = tpu.scan <max>, %max3A_526 masked %reduce_max3A_528 : vector<16xf32>, vector<16xi1> -> vector<16xf32>
        %reduce_max3A_530 = vector.extract %reduce_max3A_529[15] : f32 from vector<16xf32>
        %broadcast_in_dim3A_531 = vector.broadcast %reduce_max3A_530 : f32 to vector<16xf32>
        tpu.vector_store_idx %arg13[%broadcast_in_dim3A_287], %broadcast_in_dim3A_531 masked %eq3A_465 : memref<32xf32, #tpu.memory_space<vmem>>[vector<16xi32>], vector<16xf32>, vector<16xi1>
        %scan3A_532 = arith.constant 0 : i32
        scf.yield %scan3A_532 : i32
      }
      %scan3A_178 = arith.constant 32 : i32
      %get3A_179 = arith.constant 0 : index
      %get3A_180 = tpu.vector_load %arg14[%get3A_179] {strides = array<i32>} : memref<32xf32, #tpu.memory_space<vmem>>, vector<16xf32>,
      %get3A_181 = arith.constant 16 : index
      %get3A_182 = tpu.vector_load %arg14[%get3A_181] {strides = array<i32>} : memref<32xf32, #tpu.memory_space<vmem>>, vector<16xf32>,
      %max3A_183 = arith.maximumf %get3A_180, %get3A_182 : vector<16xf32>
      %reduce_max3A_184 = arith.constant true
      %reduce_max3A_185 = vector.broadcast %reduce_max3A_184 : i1 to vector<16xi1>
      %reduce_max3A_186 = tpu.scan <max>, %max3A_183 masked %reduce_max3A_185 : vector<16xf32>, vector<16xi1> -> vector<16xf32>
      %reduce_max3A_187 = vector.extract %reduce_max3A_186[15] : f32 from vector<16xf32>
      %sub3A_188 = vector.broadcast %reduce_max3A_187 : f32 to vector<16xf32>
      %sub3A_189 = arith.subf %get3A_180, %sub3A_188 : vector<16xf32>
      %mul3A_190 = arith.constant 1.000000e+01 : f32
      %mul3A_191 = vector.broadcast %mul3A_190 : f32 to vector<16xf32>
      %mul3A_192 = arith.mulf %sub3A_189, %mul3A_191 : vector<16xf32>
      %exp3A_193 = math.exp %mul3A_192 : vector<16xf32>
      %sub3A_194 = vector.broadcast %reduce_max3A_187 : f32 to vector<16xf32>
      %sub3A_195 = arith.subf %get3A_182, %sub3A_194 : vector<16xf32>
      %mul3A_196 = arith.constant 1.000000e+01 : f32
      %mul3A_197 = vector.broadcast %mul3A_196 : f32 to vector<16xf32>
      %mul3A_198 = arith.mulf %sub3A_195, %mul3A_197 : vector<16xf32>
      %exp3A_199 = math.exp %mul3A_198 : vector<16xf32>
      %reduce_sum3A_200 = arith.constant true
      %reduce_sum3A_201 = vector.broadcast %reduce_sum3A_200 : i1 to vector<16xi1>
      %reduce_sum3A_202 = tpu.scan <sum>, %exp3A_193 masked %reduce_sum3A_201 : vector<16xf32>, vector<16xi1> -> vector<16xf32>
      %reduce_sum3A_203 = vector.extract %reduce_sum3A_202[15] : f32 from vector<16xf32>
      %reduce_sum3A_204 = arith.constant true
      %reduce_sum3A_205 = vector.broadcast %reduce_sum3A_204 : i1 to vector<16xi1>
      %reduce_sum3A_206 = tpu.scan <sum>, %exp3A_199 masked %reduce_sum3A_205 : vector<16xf32>, vector<16xi1> -> vector<16xf32>
      %reduce_sum3A_207 = vector.extract %reduce_sum3A_206[15] : f32 from vector<16xf32>
      %add3A_208 = arith.addf %reduce_sum3A_203, %reduce_sum3A_207 : f32
      %broadcast_in_dim3A_209 = vector.broadcast %add3A_208 : f32 to vector<16xf32>
      %div3A_210 = arith.divf %exp3A_193, %broadcast_in_dim3A_209 : vector<16xf32>
      %swap3A_211 = arith.constant 0 : index
      %swap3A_212 = tpu.vector_load %arg14[%swap3A_211] {strides = array<i32>} : memref<32xf32, #tpu.memory_space<vmem>>, vector<16xf32>,
      tpu.vector_store %arg14[%swap3A_211], %div3A_210 {strides = array<i32>} : memref<32xf32, #tpu.memory_space<vmem>>, vector<16xf32>,
      %div3A_213 = arith.divf %exp3A_199, %broadcast_in_dim3A_209 : vector<16xf32>
      %swap3A_214 = arith.constant 16 : index
      %swap3A_215 = tpu.vector_load %arg14[%swap3A_214] {strides = array<i32>} : memref<32xf32, #tpu.memory_space<vmem>>, vector<16xf32>,
      tpu.vector_store %arg14[%swap3A_214], %div3A_213 {strides = array<i32>} : memref<32xf32, #tpu.memory_space<vmem>>, vector<16xf32>,
      %dma_start3A_216 = arith.constant 0 : i32
      %dma_start3A_217 = arith.constant 0 : i32
      %dma_start3A_218 = tpu.memref_slice %arg5[%dma_start3A_216, %dma_start3A_217] : memref<100352x128xf32, #tpu.memory_space<hbm>> -> memref<100352x128xf32, #tpu.memory_space<hbm>>
      tpu.enqueue_indirect_dma source(%dma_start3A_218 : memref<100352x128xf32, #tpu.memory_space<hbm>>) target(%arg16 : memref<32x128xf32, #tpu.memory_space<vmem>>) offsets(%arg15 : memref<32xi32, #tpu.memory_space<vmem>>) semaphore(%arg20 : memref<!tpu.dma_semaphore, #tpu.memory_space<semaphore_mem>>)
      %dma_wait3A_219 = arith.constant 0 : i32
      %dma_wait3A_220 = arith.constant 0 : i32
      %dma_wait3A_221 = tpu.memref_slice %arg5[%dma_wait3A_219, %dma_wait3A_220] : memref<100352x128xf32, #tpu.memory_space<hbm>> -> memref<100352x128xf32, #tpu.memory_space<hbm>>
      tpu.wait_indirect_dma semaphore(%arg20 : memref<!tpu.dma_semaphore, #tpu.memory_space<semaphore_mem>>) src(%dma_wait3A_221 : memref<100352x128xf32, #tpu.memory_space<hbm>>) dst(%arg16 : memref<32x128xf32, #tpu.memory_space<vmem>>)
      %broadcast_in_dim3A_222 = arith.constant 0.000000e+00 : f32
      %broadcast_in_dim3A_223 = vector.broadcast %broadcast_in_dim3A_222 : f32 to vector<16xf32>
      %swap3A_224 = arith.constant 0 : index
      %swap3A_225 = tpu.vector_load %arg17[%swap3A_224] {strides = array<i32>} : memref<64xf32, #tpu.memory_space<vmem>>, vector<16xf32>,
      tpu.vector_store %arg17[%swap3A_224], %broadcast_in_dim3A_223 {strides = array<i32>} : memref<64xf32, #tpu.memory_space<vmem>>, vector<16xf32>,
      %broadcast_in_dim3A_226 = arith.constant 0.000000e+00 : f32
      %broadcast_in_dim3A_227 = vector.broadcast %broadcast_in_dim3A_226 : f32 to vector<16xf32>
      %swap3A_228 = arith.constant 16 : index
      %swap3A_229 = tpu.vector_load %arg17[%swap3A_228] {strides = array<i32>} : memref<64xf32, #tpu.memory_space<vmem>>, vector<16xf32>,
      tpu.vector_store %arg17[%swap3A_228], %broadcast_in_dim3A_227 {strides = array<i32>} : memref<64xf32, #tpu.memory_space<vmem>>, vector<16xf32>,
      %broadcast_in_dim3A_230 = arith.constant 0.000000e+00 : f32
      %broadcast_in_dim3A_231 = vector.broadcast %broadcast_in_dim3A_230 : f32 to vector<16xf32>
      %swap3A_232 = arith.constant 32 : index
      %swap3A_233 = tpu.vector_load %arg17[%swap3A_232] {strides = array<i32>} : memref<64xf32, #tpu.memory_space<vmem>>, vector<16xf32>,
      tpu.vector_store %arg17[%swap3A_232], %broadcast_in_dim3A_231 {strides = array<i32>} : memref<64xf32, #tpu.memory_space<vmem>>, vector<16xf32>,
      %broadcast_in_dim3A_234 = arith.constant 0.000000e+00 : f32
      %broadcast_in_dim3A_235 = vector.broadcast %broadcast_in_dim3A_234 : f32 to vector<16xf32>
      %swap3A_236 = arith.constant 48 : index
      %swap3A_237 = tpu.vector_load %arg17[%swap3A_236] {strides = array<i32>} : memref<64xf32, #tpu.memory_space<vmem>>, vector<16xf32>,
      tpu.vector_store %arg17[%swap3A_236], %broadcast_in_dim3A_235 {strides = array<i32>} : memref<64xf32, #tpu.memory_space<vmem>>, vector<16xf32>,
      %scan3A_238 = arith.constant 0 : i32
      %scan3A_239 = arith.constant 0 : i32
      %scan3A_240 = arith.constant 32 : i32
      %scan3A_241 = arith.addi %scan3A_239, %scan3A_240 : i32
      %scan3A_242 = arith.constant 1 : i32
      %scan3A_243 = scf.for %scan3A_253 = %scan3A_239 to %scan3A_241 step %scan3A_242 iter_args(%scan3A_254 = %scan3A_238) -> (i32)  : i32 {
        %broadcast_in_dim3A_255 = vector.broadcast %scan3A_253 : i32 to vector<16xi32>
        %gather3A_256 = tpu.vector_load_idx %arg14[%broadcast_in_dim3A_255] : memref<32xf32, #tpu.memory_space<vmem>>[vector<16xi32>], vector<16xf32>,
        %reduce_max3A_257 = arith.constant true
        %reduce_max3A_258 = vector.broadcast %reduce_max3A_257 : i1 to vector<16xi1>
        %reduce_max3A_259 = tpu.scan <max>, %gather3A_256 masked %reduce_max3A_258 : vector<16xf32>, vector<16xi1> -> vector<16xf32>
        %reduce_max3A_260 = vector.extract %reduce_max3A_259[15] : f32 from vector<16xf32>
        %add3A_261 = arith.constant 0 : i32
        %add3A_262 = vector.broadcast %add3A_261 : i32 to vector<16xi32>
        %add3A_263 = arith.addi %iota3A, %add3A_262 : vector<16xi32>
        %gather3A_264 = tpu.vector_load_idx %arg16[%broadcast_in_dim3A_255, %add3A_263] : memref<32x128xf32, #tpu.memory_space<vmem>>[vector<16xi32>, vector<16xi32>], vector<16xf32>,
        %get3A_265 = arith.constant 0 : index
        %get3A_266 = tpu.vector_load %arg17[%get3A_265] {strides = array<i32>} : memref<64xf32, #tpu.memory_space<vmem>>, vector<16xf32>,
        %mul3A_267 = vector.broadcast %reduce_max3A_260 : f32 to vector<16xf32>
        %mul3A_268 = arith.mulf %gather3A_264, %mul3A_267 : vector<16xf32>
        %add3A_269 = arith.addf %get3A_266, %mul3A_268 : vector<16xf32>
        %swap3A_270 = arith.constant 0 : index
        %swap3A_271 = tpu.vector_load %arg17[%swap3A_270] {strides = array<i32>} : memref<64xf32, #tpu.memory_space<vmem>>, vector<16xf32>,
        tpu.vector_store %arg17[%swap3A_270], %add3A_269 {strides = array<i32>} : memref<64xf32, #tpu.memory_space<vmem>>, vector<16xf32>,
        %add3A_272 = arith.constant 16 : i32
        %add3A_273 = vector.broadcast %add3A_272 : i32 to vector<16xi32>
        %add3A_274 = arith.addi %iota3A, %add3A_273 : vector<16xi32>
        %gather3A_275 = tpu.vector_load_idx %arg16[%broadcast_in_dim3A_255, %add3A_274] : memref<32x128xf32, #tpu.memory_space<vmem>>[vector<16xi32>, vector<16xi32>], vector<16xf32>,
        %get3A_276 = arith.constant 16 : index
        %get3A_277 = tpu.vector_load %arg17[%get3A_276] {strides = array<i32>} : memref<64xf32, #tpu.memory_space<vmem>>, vector<16xf32>,
        %mul3A_278 = vector.broadcast %reduce_max3A_260 : f32 to vector<16xf32>
        %mul3A_279 = arith.mulf %gather3A_275, %mul3A_278 : vector<16xf32>
        %add3A_280 = arith.addf %get3A_277, %mul3A_279 : vector<16xf32>
        %swap3A_281 = arith.constant 16 : index
        %swap3A_282 = tpu.vector_load %arg17[%swap3A_281] {strides = array<i32>} : memref<64xf32, #tpu.memory_space<vmem>>, vector<16xf32>,
        tpu.vector_store %arg17[%swap3A_281], %add3A_280 {strides = array<i32>} : memref<64xf32, #tpu.memory_space<vmem>>, vector<16xf32>,
        %add3A_283 = arith.constant 32 : i32
        %add3A_284 = vector.broadcast %add3A_283 : i32 to vector<16xi32>
        %add3A_285 = arith.addi %iota3A, %add3A_284 : vector<16xi32>
        %gather3A_286 = tpu.vector_load_idx %arg16[%broadcast_in_dim3A_255, %add3A_285] : memref<32x128xf32, #tpu.memory_space<vmem>>[vector<16xi32>, vector<16xi32>], vector<16xf32>,
        %get3A_287 = arith.constant 32 : index
        %get3A_288 = tpu.vector_load %arg17[%get3A_287] {strides = array<i32>} : memref<64xf32, #tpu.memory_space<vmem>>, vector<16xf32>,
        %mul3A_289 = vector.broadcast %reduce_max3A_260 : f32 to vector<16xf32>
        %mul3A_290 = arith.mulf %gather3A_286, %mul3A_289 : vector<16xf32>
        %add3A_291 = arith.addf %get3A_288, %mul3A_290 : vector<16xf32>
        %swap3A_292 = arith.constant 32 : index
        %swap3A_293 = tpu.vector_load %arg17[%swap3A_292] {strides = array<i32>} : memref<64xf32, #tpu.memory_space<vmem>>, vector<16xf32>,
        tpu.vector_store %arg17[%swap3A_292], %add3A_291 {strides = array<i32>} : memref<64xf32, #tpu.memory_space<vmem>>, vector<16xf32>,
        %add3A_294 = arith.constant 48 : i32
        %add3A_295 = vector.broadcast %add3A_294 : i32 to vector<16xi32>
        %add3A_296 = arith.addi %iota3A, %add3A_295 : vector<16xi32>
        %gather3A_297 = tpu.vector_load_idx %arg16[%broadcast_in_dim3A_255, %add3A_296] : memref<32x128xf32, #tpu.memory_space<vmem>>[vector<16xi32>, vector<16xi32>], vector<16xf32>,
        %get3A_298 = arith.constant 48 : index
        %get3A_299 = tpu.vector_load %arg17[%get3A_298] {strides = array<i32>} : memref<64xf32, #tpu.memory_space<vmem>>, vector<16xf32>,
        %mul3A_300 = vector.broadcast %reduce_max3A_260 : f32 to vector<16xf32>
        %mul3A_301 = arith.mulf %gather3A_297, %mul3A_300 : vector<16xf32>
        %add3A_302 = arith.addf %get3A_299, %mul3A_301 : vector<16xf32>
        %swap3A_303 = arith.constant 48 : index
        %swap3A_304 = tpu.vector_load %arg17[%swap3A_303] {strides = array<i32>} : memref<64xf32, #tpu.memory_space<vmem>>, vector<16xf32>,
        tpu.vector_store %arg17[%swap3A_303], %add3A_302 {strides = array<i32>} : memref<64xf32, #tpu.memory_space<vmem>>, vector<16xf32>,
        %scan3A_305 = arith.constant 0 : i32
        scf.yield %scan3A_305 : i32
      }
      %scan3A_244 = arith.constant 32 : i32
      "tpu.region"() ({
        %run_scoped3A = tpu.sem_alloc : memref<!tpu.dma_semaphore, #tpu.memory_space<semaphore_mem>>
        %dma_start3A_253 = arith.constant 0 : i32
        %dma_start3A_254 = tpu.memref_slice %arg6[%add3A_155, %dma_start3A_253] : memref<1024x64xf32, #tpu.memory_space<hbm>> -> memref<1x64xf32, #tpu.memory_space<hbm>>
        %dma_start3A_255 = tpu.memref_squeeze %dma_start3A_254 : memref<1x64xf32, #tpu.memory_space<hbm>> -> memref<64xf32, #tpu.memory_space<hbm>>
        %dma_start3A_256 = arith.constant 0 : i32
        %dma_start3A_257 = tpu.memref_slice %arg6[%add3A_155, %dma_start3A_256] : memref<1024x64xf32, #tpu.memory_space<hbm>> -> memref<1x64xf32, #tpu.memory_space<hbm>>
        %dma_start3A_258 = tpu.memref_squeeze %dma_start3A_257 : memref<1x64xf32, #tpu.memory_space<hbm>> -> memref<64xf32, #tpu.memory_space<hbm>>
        tpu.enqueue_dma source(%arg17 : memref<64xf32, #tpu.memory_space<vmem>>) target(%dma_start3A_258 : memref<64xf32, #tpu.memory_space<hbm>>) target_semaphore(%run_scoped3A : memref<!tpu.dma_semaphore, #tpu.memory_space<semaphore_mem>>)
        %dma_wait3A_259 = arith.constant 0 : i32
        %dma_wait3A_260 = tpu.memref_slice %arg6[%add3A_155, %dma_wait3A_259] : memref<1024x64xf32, #tpu.memory_space<hbm>> -> memref<1x64xf32, #tpu.memory_space<hbm>>
        %dma_wait3A_261 = tpu.memref_squeeze %dma_wait3A_260 : memref<1x64xf32, #tpu.memory_space<hbm>> -> memref<64xf32, #tpu.memory_space<hbm>>
        %dma_wait3A_262 = arith.constant 0 : i32
        %dma_wait3A_263 = tpu.memref_slice %arg6[%add3A_155, %dma_wait3A_262] : memref<1024x64xf32, #tpu.memory_space<hbm>> -> memref<1x64xf32, #tpu.memory_space<hbm>>
        %dma_wait3A_264 = tpu.memref_squeeze %dma_wait3A_263 : memref<1x64xf32, #tpu.memory_space<hbm>> -> memref<64xf32, #tpu.memory_space<hbm>>
        tpu.wait_dma2 semaphore(%run_scoped3A : memref<!tpu.dma_semaphore, #tpu.memory_space<semaphore_mem>>) src(%arg17 : memref<64xf32, #tpu.memory_space<vmem>>) dst(%dma_wait3A_264 : memref<64xf32, #tpu.memory_space<hbm>>)
        tpu.yield
      }) : () -> ()
      %add3A_245 = arith.constant 3 : i32
      %add3A_246 = arith.addi %mul3A_66, %add3A_245 : i32
      %lt3A_247 = arith.constant 32 : i32
      %lt3A_248 = arith.cmpi slt, %add3A_246, %lt3A_247 : i32
      %convert_element_type3A_249 = arith.extui %lt3A_248 : i1 to i32
      %cond3A_250 = arith.constant 0 : i32
      %cond3A_251 = arith.cmpi ne, %convert_element_type3A_249, %cond3A_250 : i32
      scf.if %cond3A_251 {
        %add3A_253 = arith.constant 3 : i32
        %add3A_254 = arith.addi %mul3A_66, %add3A_253 : i32
        %broadcast_in_dim3A_255 = vector.broadcast %add3A_254 : i32 to vector<16xi32>
        %add3A_256 = arith.constant 0 : i32
        %add3A_257 = vector.broadcast %add3A_256 : i32 to vector<16xi32>
        %add3A_258 = arith.addi %iota3A, %add3A_257 : vector<16xi32>
        %gather3A_259 = tpu.vector_load_idx %arg7[%broadcast_in_dim3A_255, %add3A_258] : memref<32x32xi32, #tpu.memory_space<vmem>>[vector<16xi32>, vector<16xi32>], vector<16xi32>,
        %add3A_260 = arith.addi %mul3A_2, %add3A_254 : i32
        %mul3A_261 = arith.constant 784 : i32
        %mul3A_262 = arith.muli %add3A_260, %mul3A_261 : i32
        %add3A_263 = vector.broadcast %mul3A_262 : i32 to vector<16xi32>
        %add3A_264 = arith.addi %gather3A_259, %add3A_263 : vector<16xi32>
        %swap3A_265 = arith.constant 0 : index
        %swap3A_266 = tpu.vector_load %arg10[%swap3A_265] {strides = array<i32>} : memref<32xi32, #tpu.memory_space<vmem>>, vector<16xi32>,
        tpu.vector_store %arg10[%swap3A_265], %add3A_264 {strides = array<i32>} : memref<32xi32, #tpu.memory_space<vmem>>, vector<16xi32>,
        %add3A_267 = arith.constant 16 : i32
        %add3A_268 = vector.broadcast %add3A_267 : i32 to vector<16xi32>
        %add3A_269 = arith.addi %iota3A, %add3A_268 : vector<16xi32>
        %gather3A_270 = tpu.vector_load_idx %arg7[%broadcast_in_dim3A_255, %add3A_269] : memref<32x32xi32, #tpu.memory_space<vmem>>[vector<16xi32>, vector<16xi32>], vector<16xi32>,
        %add3A_271 = arith.addi %mul3A_2, %add3A_254 : i32
        %mul3A_272 = arith.constant 784 : i32
        %mul3A_273 = arith.muli %add3A_271, %mul3A_272 : i32
        %add3A_274 = vector.broadcast %mul3A_273 : i32 to vector<16xi32>
        %add3A_275 = arith.addi %gather3A_270, %add3A_274 : vector<16xi32>
        %swap3A_276 = arith.constant 16 : index
        %swap3A_277 = tpu.vector_load %arg10[%swap3A_276] {strides = array<i32>} : memref<32xi32, #tpu.memory_space<vmem>>, vector<16xi32>,
        tpu.vector_store %arg10[%swap3A_276], %add3A_275 {strides = array<i32>} : memref<32xi32, #tpu.memory_space<vmem>>, vector<16xi32>,
        %dma_start3A_278 = arith.constant 0 : i32
        %dma_start3A_279 = arith.constant 0 : i32
        %dma_start3A_280 = tpu.memref_slice %arg2[%dma_start3A_278, %dma_start3A_279] : memref<802816x128xf32, #tpu.memory_space<hbm>> -> memref<802816x128xf32, #tpu.memory_space<hbm>>
        tpu.enqueue_indirect_dma source(%dma_start3A_280 : memref<802816x128xf32, #tpu.memory_space<hbm>>) target(%arg12 : memref<32x128xf32, #tpu.memory_space<vmem>>) offsets(%arg10 : memref<32xi32, #tpu.memory_space<vmem>>) semaphore(%arg19 : memref<!tpu.dma_semaphore, #tpu.memory_space<semaphore_mem>>)
      } else {
      }
      %scan3A_252 = arith.constant 0 : i32
      scf.yield %scan3A_252 : i32
    }
    %scan3A_62 = arith.constant 16 : i32
    return
  }
}

module attributes {stable_mosaic.version = 14 : i64} {
  func.func @_prelude_body(%arg0: memref<1024x256xf32, #tpu.memory_space<vmem>>, %arg1: memref<256x128xf32, #tpu.memory_space<vmem>>, %arg2: memref<1024x2xi32, #tpu.memory_space<vmem>>, %arg3: memref<1024x128xf32, #tpu.memory_space<vmem>>) attributes {dimension_semantics = [], scalar_prefetch = 0 : i64, scratch_operands = 0 : i64, tpu.core_type = #tpu.core_type<tc>} {
    %get3A = arith.constant 0 : index
    %get3A_0 = arith.constant 0 : index
    %get3A_1 = vector.load %arg0[%get3A, %get3A_0] : memref<1024x256xf32, #tpu.memory_space<vmem>>, vector<1024x256xf32>
    %reduce_max3A = arith.constant dense<0xFF800000> : vector<1024xf32>
    %reduce_max3A_2 = vector.multi_reduction <maximumf>, %get3A_1, %reduce_max3A [1] : vector<1024x256xf32> to vector<1024xf32>
    %broadcast_in_dim3A = vector.shape_cast %reduce_max3A_2 : vector<1024xf32> to vector<1024x1xf32>
    %sub3A = vector.broadcast %broadcast_in_dim3A : vector<1024x1xf32> to vector<1024x256xf32>
    %sub3A_3 = arith.subf %get3A_1, %sub3A : vector<1024x256xf32>
    %exp3A = math.exp %sub3A_3 : vector<1024x256xf32>
    %reduce_sum3A = arith.constant dense<0.000000e+00> : vector<1024xf32>
    %reduce_sum3A_4 = vector.multi_reduction <add>, %exp3A, %reduce_sum3A [1] : vector<1024x256xf32> to vector<1024xf32>
    %broadcast_in_dim3A_5 = vector.shape_cast %reduce_sum3A_4 : vector<1024xf32> to vector<1024x1xf32>
    %div3A = vector.broadcast %broadcast_in_dim3A_5 : vector<1024x1xf32> to vector<1024x256xf32>
    %div3A_6 = arith.divf %exp3A, %div3A : vector<1024x256xf32>
    %get3A_7 = arith.constant 0 : index
    %get3A_8 = arith.constant 0 : index
    %get3A_9 = vector.load %arg1[%get3A_7, %get3A_8] : memref<256x128xf32, #tpu.memory_space<vmem>>, vector<256x128xf32>
    %dot_general3A = arith.constant dense<0.000000e+00> : vector<1024x128xf32>
    %dot_general3A_10 = tpu.matmul %div3A_6, %get3A_9, %dot_general3A {dimension_numbers = #tpu.dot_dimension_numbers<[1], [0], [0], [1], [0, 0, 1, 1], [], []>, transpose_lhs_hint = false} : vector<1024x256xf32>, vector<256x128xf32>, vector<1024x128xf32> -> vector<1024x128xf32>
    %get3A_11 = arith.constant 0 : index
    %get3A_12 = arith.constant 0 : index
    %get3A_13 = vector.load %arg2[%get3A_11, %get3A_12] : memref<1024x2xi32, #tpu.memory_space<vmem>>, vector<1024x2xi32>
    %iota3A = tpu.iota {dimensions = array<i32: 1>} : vector<1024x1024xi32>
    %slice3A = vector.extract_strided_slice %get3A_13 {offsets = [0, 0], sizes = [1024, 1], strides = [1, 1]} : vector<1024x2xi32> to vector<1024x1xi32>
    %eq3A = vector.broadcast %slice3A : vector<1024x1xi32> to vector<1024x1024xi32>
    %eq3A_14 = arith.cmpi eq, %iota3A, %eq3A : vector<1024x1024xi32>
    %jit3A = arith.constant 1.000000e+00 : f32
    %jit3A_15 = arith.constant 0.000000e+00 : f32
    %broadcast_in_dim3A_16 = vector.broadcast %jit3A : f32 to vector<1024x1024xf32>
    %broadcast_in_dim3A_17 = vector.broadcast %jit3A_15 : f32 to vector<1024x1024xf32>
    %select_n3A = arith.select %eq3A_14, %broadcast_in_dim3A_16, %broadcast_in_dim3A_17 : vector<1024x1024xi1>, vector<1024x1024xf32>
    %slice3A_18 = vector.extract_strided_slice %get3A_13 {offsets = [0, 1], sizes = [1024, 1], strides = [1, 1]} : vector<1024x2xi32> to vector<1024x1xi32>
    %eq3A_19 = vector.broadcast %slice3A_18 : vector<1024x1xi32> to vector<1024x1024xi32>
    %eq3A_20 = arith.cmpi eq, %iota3A, %eq3A_19 : vector<1024x1024xi32>
    %jit3A_21 = arith.constant 1.000000e+00 : f32
    %jit3A_22 = arith.constant 0.000000e+00 : f32
    %broadcast_in_dim3A_23 = vector.broadcast %jit3A_21 : f32 to vector<1024x1024xf32>
    %broadcast_in_dim3A_24 = vector.broadcast %jit3A_22 : f32 to vector<1024x1024xf32>
    %select_n3A_25 = arith.select %eq3A_20, %broadcast_in_dim3A_23, %broadcast_in_dim3A_24 : vector<1024x1024xi1>, vector<1024x1024xf32>
    %dot_general3A_26 = arith.constant dense<0.000000e+00> : vector<1024x128xf32>
    %dot_general3A_27 = tpu.matmul %select_n3A, %dot_general3A_10, %dot_general3A_26 {dimension_numbers = #tpu.dot_dimension_numbers<[1], [0], [0], [1], [0, 0, 1, 1], [], []>, precision = #tpu.contract_precision<fp32>, transpose_lhs_hint = false} : vector<1024x1024xf32>, vector<1024x128xf32>, vector<1024x128xf32> -> vector<1024x128xf32>
    %dot_general3A_28 = arith.constant dense<0.000000e+00> : vector<1024x128xf32>
    %dot_general3A_29 = tpu.matmul %select_n3A_25, %dot_general3A_10, %dot_general3A_28 {dimension_numbers = #tpu.dot_dimension_numbers<[1], [0], [0], [1], [0, 0, 1, 1], [], []>, precision = #tpu.contract_precision<fp32>, transpose_lhs_hint = false} : vector<1024x1024xf32>, vector<1024x128xf32>, vector<1024x128xf32> -> vector<1024x128xf32>
    %mul3A = arith.mulf %dot_general3A_27, %dot_general3A_29 : vector<1024x128xf32>
    %mul3A_30 = arith.mulf %mul3A, %mul3A : vector<1024x128xf32>
    %reduce_sum3A_31 = arith.constant dense<0.000000e+00> : vector<1024xf32>
    %reduce_sum3A_32 = vector.multi_reduction <add>, %mul3A_30, %reduce_sum3A_31 [1] : vector<1024x128xf32> to vector<1024xf32>
    %broadcast_in_dim3A_33 = vector.shape_cast %reduce_sum3A_32 : vector<1024xf32> to vector<1024x1xf32>
    %sqrt3A = math.sqrt %broadcast_in_dim3A_33 : vector<1024x1xf32>
    %add3A = arith.constant 9.99999997E-7 : f32
    %add3A_34 = vector.broadcast %add3A : f32 to vector<1024x1xf32>
    %add3A_35 = arith.addf %sqrt3A, %add3A_34 : vector<1024x1xf32>
    %div3A_36 = vector.broadcast %add3A_35 : vector<1024x1xf32> to vector<1024x128xf32>
    %div3A_37 = arith.divf %mul3A, %div3A_36 : vector<1024x128xf32>
    %swap3A = arith.constant 0 : index
    %swap3A_38 = arith.constant 0 : index
    %swap3A_39 = vector.load %arg3[%swap3A, %swap3A_38] : memref<1024x128xf32, #tpu.memory_space<vmem>>, vector<1024x128xf32>
    tpu.vector_store %arg3[%swap3A, %swap3A_38], %div3A_37 {strides = array<i32>} : memref<1024x128xf32, #tpu.memory_space<vmem>>, vector<1024x128xf32>,
    return
  }
}

module attributes {stable_mosaic.version = 14 : i64} {
  func.func @_sims_body(%arg0: i32, %arg1: memref<1024x128xf32, #tpu.memory_space<vmem>>, %arg2: memref<512x128xf32, #tpu.memory_space<vmem>>, %arg3: memref<1024x512xf32, #tpu.memory_space<vmem>>, %arg4: memref<1x1024x4xf32, #tpu.memory_space<vmem>>) attributes {dimension_semantics = [#tpu.dimension_semantics<arbitrary>], iteration_bounds = array<i64: 196>, scalar_prefetch = 0 : i64, scratch_operands = 0 : i64, tpu.core_type = #tpu.core_type<tc>, window_params = [{pipeline_mode = #tpu.pipeline_mode<synchronous>, transform_indices = @transform_0, window_bounds = array<i64: 1024, 128>}, {transform_indices = @transform_1, window_bounds = array<i64: 512, 128>}, {transform_indices = @transform_2, window_bounds = array<i64: 1024, 512>}, {transform_indices = @transform_3, window_bounds = array<i64: 1, 1024, 4>}]} {
    %get3A = arith.constant 0 : index
    %get3A_0 = arith.constant 0 : index
    %get3A_1 = vector.load %arg1[%get3A, %get3A_0] : memref<1024x128xf32, #tpu.memory_space<vmem>>, vector<1024x128xf32>
    %get3A_2 = arith.constant 0 : index
    %get3A_3 = arith.constant 0 : index
    %get3A_4 = vector.load %arg2[%get3A_2, %get3A_3] : memref<512x128xf32, #tpu.memory_space<vmem>>, vector<512x128xf32>
    %dot_general3A = arith.constant dense<0.000000e+00> : vector<1024x512xf32>
    %dot_general3A_5 = tpu.matmul %get3A_1, %get3A_4, %dot_general3A {dimension_numbers = #tpu.dot_dimension_numbers<[1], [1], [0], [0], [0, 0, 1, 0], [], []>, transpose_lhs_hint = false} : vector<1024x128xf32>, vector<512x128xf32>, vector<1024x512xf32> -> vector<1024x512xf32>
    %mul3A = arith.constant 512 : i32
    %mul3A_6 = arith.muli %arg0, %mul3A : i32
    %iota3A = tpu.iota {dimensions = array<i32: 1>} : vector<1x512xi32>
    %add3A = vector.broadcast %mul3A_6 : i32 to vector<1x512xi32>
    %add3A_7 = arith.addi %add3A, %iota3A : vector<1x512xi32>
    %lt3A = arith.constant 100000 : i32
    %lt3A_8 = vector.broadcast %lt3A : i32 to vector<1x512xi32>
    %lt3A_9 = arith.cmpi slt, %add3A_7, %lt3A_8 : vector<1x512xi32>
    %jit3A = arith.constant -1.000000e+30 : f32
    %broadcast_in_dim3A = vector.shape_cast %lt3A_9 : vector<1x512xi1> to vector<1x512xi1>
    %broadcast_in_dim3A_10 = vector.broadcast %broadcast_in_dim3A : vector<1x512xi1> to vector<1024x512xi1>
    %broadcast_in_dim3A_11 = vector.broadcast %jit3A : f32 to vector<1024x512xf32>
    %select_n3A = arith.select %broadcast_in_dim3A_10, %dot_general3A_5, %broadcast_in_dim3A_11 : vector<1024x512xi1>, vector<1024x512xf32>
    %swap3A = arith.constant 0 : index
    %swap3A_12 = arith.constant 0 : index
    %swap3A_13 = vector.load %arg3[%swap3A, %swap3A_12] : memref<1024x512xf32, #tpu.memory_space<vmem>>, vector<1024x512xf32>
    tpu.vector_store %arg3[%swap3A, %swap3A_12], %select_n3A {strides = array<i32>} : memref<1024x512xf32, #tpu.memory_space<vmem>>, vector<1024x512xf32>,
    %slice3A = vector.extract_strided_slice %select_n3A {offsets = [0, 0], sizes = [1024, 128], strides = [1, 1]} : vector<1024x512xf32> to vector<1024x128xf32>
    %reduce_max3A = arith.constant dense<0xFF800000> : vector<1024xf32>
    %reduce_max3A_14 = vector.multi_reduction <maximumf>, %slice3A, %reduce_max3A [1] : vector<1024x128xf32> to vector<1024xf32>
    %broadcast_in_dim3A_15 = vector.shape_cast %reduce_max3A_14 : vector<1024xf32> to vector<1024x1xf32>
    %slice3A_16 = vector.extract_strided_slice %select_n3A {offsets = [0, 128], sizes = [1024, 128], strides = [1, 1]} : vector<1024x512xf32> to vector<1024x128xf32>
    %reduce_max3A_17 = arith.constant dense<0xFF800000> : vector<1024xf32>
    %reduce_max3A_18 = vector.multi_reduction <maximumf>, %slice3A_16, %reduce_max3A_17 [1] : vector<1024x128xf32> to vector<1024xf32>
    %broadcast_in_dim3A_19 = vector.shape_cast %reduce_max3A_18 : vector<1024xf32> to vector<1024x1xf32>
    %slice3A_20 = vector.extract_strided_slice %select_n3A {offsets = [0, 256], sizes = [1024, 128], strides = [1, 1]} : vector<1024x512xf32> to vector<1024x128xf32>
    %reduce_max3A_21 = arith.constant dense<0xFF800000> : vector<1024xf32>
    %reduce_max3A_22 = vector.multi_reduction <maximumf>, %slice3A_20, %reduce_max3A_21 [1] : vector<1024x128xf32> to vector<1024xf32>
    %broadcast_in_dim3A_23 = vector.shape_cast %reduce_max3A_22 : vector<1024xf32> to vector<1024x1xf32>
    %slice3A_24 = vector.extract_strided_slice %select_n3A {offsets = [0, 384], sizes = [1024, 128], strides = [1, 1]} : vector<1024x512xf32> to vector<1024x128xf32>
    %reduce_max3A_25 = arith.constant dense<0xFF800000> : vector<1024xf32>
    %reduce_max3A_26 = vector.multi_reduction <maximumf>, %slice3A_24, %reduce_max3A_25 [1] : vector<1024x128xf32> to vector<1024xf32>
    %broadcast_in_dim3A_27 = vector.shape_cast %reduce_max3A_26 : vector<1024xf32> to vector<1024x1xf32>
    %concatenate3A = tpu.concatenate %broadcast_in_dim3A_15, %broadcast_in_dim3A_19, %broadcast_in_dim3A_23, %broadcast_in_dim3A_27 in 1 : vector<1024x1xf32>, vector<1024x1xf32>, vector<1024x1xf32>, vector<1024x1xf32> -> vector<1024x4xf32>
    %swap3A_28 = arith.constant 0 : index
    %swap3A_29 = arith.constant 0 : index
    %swap3A_30 = arith.constant 0 : index
    %swap3A_31 = vector.load %arg4[%swap3A_28, %swap3A_29, %swap3A_30] : memref<1x1024x4xf32, #tpu.memory_space<vmem>>, vector<1x1024x4xf32>
    %swap3A_32 = vector.shape_cast %swap3A_31 : vector<1x1024x4xf32> to vector<1024x4xf32>
    %swap3A_33 = vector.shape_cast %concatenate3A : vector<1024x4xf32> to vector<1x1024x4xf32>
    tpu.vector_store %arg4[%swap3A_28, %swap3A_29, %swap3A_30], %swap3A_33 {strides = array<i32>} : memref<1x1024x4xf32, #tpu.memory_space<vmem>>, vector<1x1024x4xf32>,
    return
  }
  func.func @transform_0(%arg0: i32) -> (i32, i32) {
    %c0_i32 = arith.constant 0 : i32
    %c0_i32_0 = arith.constant 0 : i32
    %c0_i32_1 = arith.constant 0 : i32
    return %c0_i32, %c0_i32_0 : i32, i32
  }
  func.func @transform_1(%arg0: i32) -> (i32, i32) {
    %c0_i32 = arith.constant 0 : i32
    %c0_i32_0 = arith.constant 0 : i32
    return %arg0, %c0_i32 : i32, i32
  }
  func.func @transform_2(%arg0: i32) -> (i32, i32) {
    %c0_i32 = arith.constant 0 : i32
    %c0_i32_0 = arith.constant 0 : i32
    return %c0_i32, %arg0 : i32, i32
  }
  func.func @transform_3(%arg0: i32) -> (i32, i32, i32) {
    %c0_i32 = arith.constant 0 : i32
    %c0_i32_0 = arith.constant 0 : i32
    %c0_i32_1 = arith.constant 0 : i32
    return %arg0, %c0_i32, %c0_i32_0 : i32, i32, i32
  }
}

module attributes {stable_mosaic.version = 14 : i64} {
  func.func @_select_body(%arg0: memref<1024x896xf32, #tpu.memory_space<vmem>>, %arg1: memref<1024x32xi32, #tpu.memory_space<vmem>>, %arg2: memref<1024x32xf32, #tpu.memory_space<vmem>>) attributes {dimension_semantics = [], scalar_prefetch = 0 : i64, scratch_operands = 0 : i64, tpu.core_type = #tpu.core_type<tc>} {
    %get3A = arith.constant 0 : index
    %get3A_0 = arith.constant 0 : index
    %get3A_1 = vector.load %arg0[%get3A, %get3A_0] : memref<1024x896xf32, #tpu.memory_space<vmem>>, vector<1024x896xf32>
    %iota3A = tpu.iota {dimensions = array<i32: 1>} : vector<1024x896xi32>
    %iota3A_2 = tpu.iota {dimensions = array<i32: 1>} : vector<1024x32xi32>
    %broadcast_in_dim3A = arith.constant 0 : i32
    %broadcast_in_dim3A_3 = vector.broadcast %broadcast_in_dim3A : i32 to vector<1024x32xi32>
    %broadcast_in_dim3A_4 = arith.constant 0.000000e+00 : f32
    %broadcast_in_dim3A_5 = vector.broadcast %broadcast_in_dim3A_4 : f32 to vector<1024x32xf32>
    %scan3A = arith.constant 0 : i32
    %scan3A_6 = arith.constant 32 : i32
    %scan3A_7 = arith.addi %scan3A, %scan3A_6 : i32
    %scan3A_8 = arith.constant 1 : i32
    %scan3A_9:3 = scf.for %scan3A_16 = %scan3A to %scan3A_7 step %scan3A_8 iter_args(%scan3A_17 = %get3A_1, %scan3A_18 = %broadcast_in_dim3A_3, %scan3A_19 = %broadcast_in_dim3A_5) -> (vector<1024x896xf32>, vector<1024x32xi32>, vector<1024x32xf32>)  : i32 {
      %reduce_max3A = arith.constant dense<0xFF800000> : vector<1024xf32>
      %reduce_max3A_20 = vector.multi_reduction <maximumf>, %scan3A_17, %reduce_max3A [1] : vector<1024x896xf32> to vector<1024xf32>
      %broadcast_in_dim3A_21 = vector.shape_cast %reduce_max3A_20 : vector<1024xf32> to vector<1024x1xf32>
      %eq3A = vector.broadcast %broadcast_in_dim3A_21 : vector<1024x1xf32> to vector<1024x896xf32>
      %eq3A_22 = arith.cmpf oeq, %scan3A_17, %eq3A : vector<1024x896xf32>
      %jit3A = arith.constant 1073741824 : i32
      %broadcast_in_dim3A_23 = vector.broadcast %jit3A : i32 to vector<1024x896xi32>
      %select_n3A = arith.select %eq3A_22, %iota3A, %broadcast_in_dim3A_23 : vector<1024x896xi1>, vector<1024x896xi32>
      %reduce_min3A = arith.constant dense<2147483647> : vector<1024xi32>
      %reduce_min3A_24 = vector.multi_reduction <minsi>, %select_n3A, %reduce_min3A [1] : vector<1024x896xi32> to vector<1024xi32>
      %eq3A_25 = vector.broadcast %scan3A_16 : i32 to vector<1024x32xi32>
      %eq3A_26 = arith.cmpi eq, %iota3A_2, %eq3A_25 : vector<1024x32xi32>
      %broadcast_in_dim3A_27 = vector.shape_cast %reduce_min3A_24 : vector<1024xi32> to vector<1024x1xi32>
      %broadcast_in_dim3A_28 = vector.shape_cast %broadcast_in_dim3A_27 : vector<1024x1xi32> to vector<1024x1xi32>
      %broadcast_in_dim3A_29 = vector.broadcast %broadcast_in_dim3A_28 : vector<1024x1xi32> to vector<1024x32xi32>
      %select_n3A_30 = arith.select %eq3A_26, %broadcast_in_dim3A_29, %scan3A_18 : vector<1024x32xi1>, vector<1024x32xi32>
      %eq3A_31 = vector.broadcast %scan3A_16 : i32 to vector<1024x32xi32>
      %eq3A_32 = arith.cmpi eq, %iota3A_2, %eq3A_31 : vector<1024x32xi32>
      %broadcast_in_dim3A_33 = vector.shape_cast %reduce_max3A_20 : vector<1024xf32> to vector<1024x1xf32>
      %broadcast_in_dim3A_34 = vector.shape_cast %broadcast_in_dim3A_33 : vector<1024x1xf32> to vector<1024x1xf32>
      %broadcast_in_dim3A_35 = vector.broadcast %broadcast_in_dim3A_34 : vector<1024x1xf32> to vector<1024x32xf32>
      %select_n3A_36 = arith.select %eq3A_32, %broadcast_in_dim3A_35, %scan3A_19 : vector<1024x32xi1>, vector<1024x32xf32>
      %broadcast_in_dim3A_37 = vector.shape_cast %reduce_min3A_24 : vector<1024xi32> to vector<1024x1xi32>
      %eq3A_38 = vector.broadcast %broadcast_in_dim3A_37 : vector<1024x1xi32> to vector<1024x896xi32>
      %eq3A_39 = arith.cmpi eq, %iota3A, %eq3A_38 : vector<1024x896xi32>
      %jit3A_40 = arith.constant -3.000000e+38 : f32
      %broadcast_in_dim3A_41 = vector.broadcast %jit3A_40 : f32 to vector<1024x896xf32>
      %select_n3A_42 = arith.select %eq3A_39, %broadcast_in_dim3A_41, %scan3A_17 : vector<1024x896xi1>, vector<1024x896xf32>
      scf.yield %select_n3A_42, %select_n3A_30, %select_n3A_36 : vector<1024x896xf32>, vector<1024x32xi32>, vector<1024x32xf32>
    }
    %scan3A_10 = arith.constant 32 : i32
    %swap3A = arith.constant 0 : index
    %swap3A_11 = arith.constant 0 : index
    %swap3A_12 = vector.load %arg1[%swap3A, %swap3A_11] : memref<1024x32xi32, #tpu.memory_space<vmem>>, vector<1024x32xi32>
    tpu.vector_store %arg1[%swap3A, %swap3A_11], %scan3A_9#1 {strides = array<i32>} : memref<1024x32xi32, #tpu.memory_space<vmem>>, vector<1024x32xi32>,
    %swap3A_13 = arith.constant 0 : index
    %swap3A_14 = arith.constant 0 : index
    %swap3A_15 = vector.load %arg2[%swap3A_13, %swap3A_14] : memref<1024x32xf32, #tpu.memory_space<vmem>>, vector<1024x32xf32>
    tpu.vector_store %arg2[%swap3A_13, %swap3A_14], %scan3A_9#2 {strides = array<i32>} : memref<1024x32xf32, #tpu.memory_space<vmem>>, vector<1024x32xf32>,
    return
  }
}

</mosaic_0001>

<sc_bundles>
// kernel: kernel.6.cloned.1.call-start
scs
__scs_entry_jumppad:
0x0: {  	(pc) =	sbr.rel $0x88, $3  }
0x1: {  	(tag) =	ssettag $0x0;
	lr =	simm.s32 $0x1  }
0x2: {  	[smem:$0x3F9C] =	sst lr;
	_ =	strace $0xD0000000  }
0x3: {  	_ = 	snop  }
0x4: {  	_ = 	snop  }
0x5: {  	_ = 	snop  }
0x6: {  	_ = 	snop  }
0x7: {  	_ = 	snop  }
__scs_overlays_trampoline_lowered:
0x8: {  	[smem:$0x3FAB] =	sst s0  }
0x9: {  	[smem:$0x3FAC] =	sst s1  }
0xa: {  	[smem:$0x3FAD] =	sst s2  }
0xb: {  	[smem:$0x3FAE] =	sst s3  }
0xc: {  	[smem:$0x3FAF] =	sst s4  }
0xd: {  	[smem:$0x3FB0] =	sst s5  }
0xe: {  	[smem:$0x3FB1] =	sst s6  }
0xf: {  	[smem:$0x3FB2] =	sst s7  }
0x10: {  	[smem:$0x3FB3] =	sst s8  }
0x11: {  	[smem:$0x3FB4] =	sst s9;
	s0 =	simm.s32 @!p0 $0x0  }
0x12: {  	s1 =	sld [smem:$0x3F9A];
	s0 =	simm.s32 @p0 $0x1  }
0x13: {  	[smem:$0x3FB5] =	sst s0;
	s0 =	simm.s32 @!p1 $0x0  }
0x14: {  	s2 =	sld [smem:$0x3F99];
	s0 =	simm.s32 @p1 $0x1  }
0x15: {  	[smem:$0x3FB6] =	sst s0;
	s0 =	simm.s32 @!p2 $0x0  }
0x16: {  	s3 =	sld [smem:$0x3FDB];
	s0 =	simm.s32 @p2 $0x1  }
0x17: {  	s4 =	simm.s32 $0x1BF5;
	[smem:$0x3FB8] =	sst s0  }
0x18: {  	s0 =	sld [smem:$0x3F9B];
	_ =	swait.ge [sflag:s4], $0x0  }
0x19: {  	s7 =	sld [smem:$0x3F9C]  }
0x1a: {  	s8 =	sadd.s32 $0xFFFFE003, lr  }
0x1b: {  	s9 =	sadd.s32 $0xFFFFFEF7, lr;
	s5 =	simm.s32 $0xFFFFFFFF;
	p2 =	slt.u32 s8, $0xFFFFF086  }
0x1c: {  	p1 =	slt.u32 s9, $0xF7A;
	s5 =	simm.s32 @!p2 $0x0  }
0x1d: {  	s5 =	simm.s32 @p1 $0x1;
	p0 =	seq.s32 s7, s2  }
0x1e: {  	s7 =	smul.u32 @!p0 $0xF7A, s2;
	p2 =	seq.s32 @!p0 s5, $0x0  }
0x1f: {  	s9 =	smul.u32 $0xF7A, s1;
	s8 =	simm.s32 @!p0 $0x1BF5;
	p2 =	por !p2, p0  }
0x20: {  	[sflag:s8] =	ssyncset.s32 @!p0 $0xFFFFF086;
	s6 =	sadd.s32 @!p0 s3, s7;
	s7 =	simm.s32 @!p0 $0x108  }
0x21: {  	s3 =	sadd.s32 s3, s9;
	s6 =	sadd.s32 @!p0 $0x88, s6;
	s7 =	simm.s32 @p2 $0x1082  }
0x22: {  	[simem:s7], [sflag:s8] =	dma.local @!p0 [hbm:s6], $0xF7A  }
0x23: {  	s9 =	sor.u32 $0xD0000000, s2;
	s6 =	simm.s32 $0x108;
	_ =	swait.ge @!p0 [sflag:s8], $0x0  }
0x24: {  	s3 =	sadd.s32 $0x88, s3;
	s6 =	simm.s32 @!p1 $0x1082;
	[sflag:s4] =	ssyncset.s32 $0xFFFFF086  }
0x25: {  	[simem:s6], [sflag:s4] =	dma.local [hbm:s3], $0xF7A  }
0x26: {  	[smem:$0x3F9C] =	sst s1;
	(tag) =	ssettag s2;
	_ =	strace s9  }
0x27: {  	s1 =	sld [smem:$0x3FAC]  }
0x28: {  	s2 =	sld [smem:$0x3FAD]  }
0x29: {  	s4 =	sld [smem:$0x3FAF]  }
0x2a: {  	p0 =	seq.s32 s5, $0x0;
	s5 =	sld [smem:$0x3FB0]  }
0x2b: {  	s6 =	sld [smem:$0x3FB1]  }
0x2c: {  	s7 =	sld [smem:$0x3FB2]  }
0x2d: {  	s3 =	simm.s32 $0x108;
	s8 =	sld [smem:$0x3FB3]  }
0x2e: {  	s3 =	simm.s32 @!p0 $0x1082;
	s9 =	sld [smem:$0x3FB4]  }
0x2f: {  	lr =	sadd.s32 s0, s3;
	s0 =	sld [smem:$0x3FAB]  }
0x30: {  	s3 =	sld [smem:$0x3FAE]  }
0x31: {  	[smem:$0x3FB7] =	sst s10  }
0x32: {  	s10 =	sld [smem:$0x3FB5];
	_ =	sdelay $0x3  }
0x33: {  	p0 =	seq.s32 s10, $0x1;
	s10 =	sld [smem:$0x3FB7];
	_ =	sdelay $0x3  }
0x34: {  	[smem:$0x3FB7] =	sst s10  }
0x35: {  	s10 =	sld [smem:$0x3FB6];
	_ =	sdelay $0x3  }
0x36: {  	p1 =	seq.s32 s10, $0x1;
	s10 =	sld [smem:$0x3FB7];
	_ =	sdelay $0x3  }
0x37: {  	[smem:$0x3FB7] =	sst s10  }
0x38: {  	s10 =	sld [smem:$0x3FB8]  }
0x39: {  	_ = 	snop;
	(pc) =	sbr.ind lr, $3  }
0x3a: {  	_ = 	snop  }
0x3b: {  	_ = 	snop  }
0x3c: {  	p2 =	seq.s32 s10, $0x1;
	s10 =	sld [smem:$0x3FB7]  }
0x3d: {  	_ =	shalt  }
0x3e: {  	_ =	shalt  }
0x3f: {  	_ =	shalt  }
0x40: {  	_ =	shalt  }
0x41: {  	_ =	shalt  }
0x42: {  	_ =	shalt  }
0x43: {  	_ =	shalt  }
0x44: {  	_ =	shalt  }
0x45: {  	_ =	shalt  }
0x46: {  	_ =	shalt  }
0x47: {  	_ =	shalt  }
0x48: {  	_ =	shalt  }
0x49: {  	_ =	shalt  }
0x4a: {  	_ =	shalt  }
0x4b: {  	_ =	shalt  }
0x4c: {  	_ =	shalt  }
0x4d: {  	_ =	shalt  }
0x4e: {  	_ =	shalt  }
0x4f: {  	_ =	shalt  }
0x50: {  	_ =	shalt  }
0x51: {  	_ =	shalt  }
0x52: {  	_ =	shalt  }
0x53: {  	_ =	shalt  }
0x54: {  	_ =	shalt  }
0x55: {  	_ =	shalt  }
0x56: {  	_ =	shalt  }
0x57: {  	_ =	shalt  }
0x58: {  	_ =	shalt  }
0x59: {  	_ =	shalt  }
0x5a: {  	_ =	shalt  }
0x5b: {  	_ =	shalt  }
0x5c: {  	_ =	shalt  }
0x5d: {  	_ =	shalt  }
0x5e: {  	_ =	shalt  }
0x5f: {  	_ =	shalt  }
0x60: {  	_ =	shalt  }
0x61: {  	_ =	shalt  }
0x62: {  	_ =	shalt  }
0x63: {  	_ =	shalt  }
0x64: {  	_ =	shalt  }
0x65: {  	_ =	shalt  }
0x66: {  	_ =	shalt  }
0x67: {  	_ =	shalt  }
0x68: {  	_ =	shalt  }
0x69: {  	_ =	shalt  }
0x6a: {  	_ =	shalt  }
0x6b: {  	_ =	shalt  }
0x6c: {  	_ =	shalt  }
0x6d: {  	_ =	shalt  }
0x6e: {  	_ =	shalt  }
0x6f: {  	_ =	shalt  }
0x70: {  	_ =	shalt  }
0x71: {  	_ =	shalt  }
0x72: {  	_ =	shalt  }
0x73: {  	_ =	shalt  }
0x74: {  	_ =	shalt  }
0x75: {  	_ =	shalt  }
0x76: {  	_ =	shalt  }
0x77: {  	_ =	shalt  }
0x78: {  	_ =	shalt  }
0x79: {  	_ =	shalt  }
0x7a: {  	_ =	shalt  }
0x7b: {  	_ =	shalt  }
0x7c: {  	_ =	shalt  }
0x7d: {  	_ =	shalt  }
0x7e: {  	_ =	shalt  }
0x7f: {  	_ =	shalt  }
0x80: {  	_ =	shalt  }
0x81: {  	_ =	shalt  }
0x82: {  	_ =	shalt  }
0x83: {  	_ =	shalt  }
0x84: {  	_ =	shalt  }
0x85: {  	_ =	shalt  }
0x86: {  	_ =	shalt  }
0x87: {  	_ =	shalt  }
.Lfunc_end0:
.L_simem_size_0:
called_computation_lowered:
.L_overlay_start_0:
0x88: {  	s2 =	sld [smem:$0x3FD9]  }
0x89: {  	s3 =	sld [smem:$0x3FFE];
	_ =	sdelay $0x1  }
0x8a: {  	s1 =	srdreg.scid  }
0x8b: {  	s0 =	sand.u32 $0x1, s1  }
0x8c: {  	s16 =	sshll.u32 s0, $0xA;
	s2 =	sadd.s32 s3, s2  }
0x8d: {  	s2 =	sadd.s32 s2, s16  }
0x8e: {  	[smem:$0x3FC3] =	sst s2  }
0x8f: {  	_ = 	snop  }
0x90: {  	(tm) =	ssettm $0x1  }
0x91: {  	s17 =	sld [smem:$0x3FFB];
	_ =	sdelay $0x3  }
0x92: {  	_ =	strace s17  }
0x93: {  	s2 =	sld [smem:$0x3FFC];
	_ =	sdelay $0x3  }
0x94: {  	_ =	strace s2  }
0x95: {  	s2 =	sld [smem:$0x3FFD];
	_ =	sdelay $0x3  }
0x96: {  	_ =	strace s2  }
0x97: {  	_ =	strace $0x8FFFFFFF  }
0x98: {  	s18 =	sld [smem:$0x3FDB];
	_ =	sdelay $0x1  }
0x99: {  	s19 =	simm.s32 $_scs_section_size  }
0x9a: {  	s4 =	simm.s32 $_size__tile_overlayer_lowered;
	s5 =	simm.s32 $_tile_overlayer_lowered  }
0x9b: {  	s22 =	simm.s32 $0x1BFF;
	s21 =	sshll.u32 s5, $0x1;
	s2 =	sadd.s32 s19, s18  }
0x9c: {  	s6 =	simm.s32 $0x0;
	s20 =	sshll.u32 s4, $0x1;
	s4 =	sadd.s32 s21, s2  }
0x9d: {  	[timem:s6], [sflag:s22] =	dma.local [hbm:s4], s20  }
0x9e: {  	_ =	swait.ge [sflag:s22], s20  }
0x9f: {  	s3 =	ssub.s32 $0x0, s20;
	[sflag:s22] =	ssyncset.done $0x0  }
0xa0: {  	[sflag:s22] =	ssyncadd.s32 s3;
	_ =	sdelay $0x1  }
0xa1: {  	s23 =	simm.s32 $0x1B8B  }
0xa2: {  	_ =	swait.ge [sflag:s23], $0x1  }
0xa3: {  	[sflag:s23] =	ssyncset.done $0x0  }
0xa4: {  	s25 =	simm.s32 $0x1B8E;
	s24 =	sld [smem:$0x3FFE];
	[sflag:s23] =	ssyncadd.s32 $0xFFFFFFFF  }
0xa5: {  	s26 =	simm.s32 $execute0_lowered;
	[smem:$0x3FD2] =	sst s25  }
0xa6: {  	s4 =	sshll.u32 s26, $0x1;
	_ =	strace $0x80000046;
	[dreg:$0x1] =	wrdreg $0xFFFFFFFF  }
0xa7: {  	s28 =	simm.s32 $_size_execute0_lowered;
	s2 =	sadd.s32 s2, s4;
	[dreg:$0x0] =	wrdreg $0x0  }
0xa8: {  	s4 =	sshll.u32 s28, $0x1;
	[dreg:$0x2] =	wrdreg s2  }
0xa9: {  	[dreg:$0x3] =	wrdreg s4  }
0xaa: {  	[dreg:$0x4] =	wrdreg $0xC0  }
0xab: {  	_ =	task [dreg:s6], $0x5FFFF  }
0xac: {  	[dreg:$0x1] =	wrdreg $0xFFFFFFFF  }
0xad: {  	[dreg:$0x0] =	wrdreg $0x60  }
0xae: {  	[dreg:$0x2] =	wrdreg s24  }
0xaf: {  	[dreg:$0x3] =	wrdreg $0x9  }
0xb0: {  	_ =	task.clear_ibuf [dreg:s6], $0x4FFFF;
	_ =	strace $0x90000046  }
0xb1: {  	s29 =	simm.s32 $0x9;
	_ =	strace $0x80000048  }
0xb2: {  	_ =	swait.ge [sflag:s29], $0x1  }
0xb3: {  	[sflag:s29] =	ssyncadd.s32 $0xFFFFFFFF  }
0xb4: {  	_ =	strace $0x90000048  }
0xb5: {  	_ =	sfence  }
0xb6: {  	s30 =	sld [smem:$0x0];
	_ =	sdelay $0x2  }
0xb7: {  	s31 =	sshll.u32 s1, $0xD;
	s1 =	sshrl.u32 s1, $0x2  }
0xb8: {  	s3 =	sand.u32 $0x4000, s31;
	s1 =	sadd.s32 s1, s30  }
0xb9: {  	s0 =	sor.u32 s3, s0;
	s1 =	sshll.u32 s1, $0x11  }
0xba: {  	s0 =	sor.u32 s1, s0  }
0xbb: {  	s0 =	sadd.s32 $0x8F2B, s0  }
0xbc: {  	[sflag:s0] =	ssyncadd.remote.s32 $0x1  }
0xbd: {  	_ =	sfence.sel $0xFFFF  }
0xbe: {  	[dreg:$0x0] =	wrdreg $0xFFFFFFFF;
	(pc) =	sbr.abs _section_cstart, $3  }
0xbf: {  	[dreg:$0x1] =	wrdreg $0xFFFFFFFF  }
0xc0: {  	_ =	task.clear_ibuf [dreg:s6], $0x2FFFF;
	_ =	strace $0x9FFFFFFF  }
0xc1: {  	(tm) =	ssettm $0x7FFFFFFF  }
tec
execute0_lowered:
.L_overlay_start_1:
0x0: {  	(tag) =	ssettag $0x1  }
0x1: {  	s5 =	rddreg [dreg:$0x0];
	s2 =	simm.s32 $0x0;
	s3 =	srdreg.scid  }
0x2: {  	s0 =	stileid.u32;
	s11 =	simm.s32 $0x1000;
	s12 =	simm.s32 $0x20  }
0x3: {  	s16 =	simm.s32 $0x3100;
	s17 =	simm.s32 $0x1;
	s18 =	simm.s32 $0x4180  }
0x4: {  	s19 =	simm.s32 $0x4200;
	s20 =	simm.s32 $0x4100;
	s21 =	simm.s32 $0x4280  }
0x5: {  	s22 =	simm.s32 $0x3;
	s23 =	simm.s32 $0x5280;
	s24 =	simm.s32 $0x2  }
0x6: {  	s25 =	simm.s32 $0x0;
	[smem:$0x7FF] =	sst s2;
	s4 =	sand.u32 $0x1, s3  }
0x7: {  	s30 =	sshll.u32 s0, $0x1;
	s3 =	sadd.s32 $0x125FA00, s5;
	_ =	strace $0x80000047  }
0x8: {  	s6 =	sor.u32 s4, s30;
	s8 =	ssub.s32 $0x2, s4;
	s4 =	sadd.s32 $0x18FA00, s5  }
.Ltmp0:
0x9: {  	v0 =	vlaneseq.u32;
	s7 =	sshll.u32 s6, $0x9;
	s31 =	sshrl.u32 s8, $0x1;
	(pc) =	sbr.rel .LBB2_1-.Ltmp0, $4  }
0xa: {  	v12 =	vimm.f32 $-1.000000020e+30;
	v3 =	vor.u32 $0x10, v0;
	v4 =	vor.u32 $0x80, v0;
	s14 =	smul.u32 $0x6200, s6;
	s6 =	sshll.u32 s6, $0x5;
	s9 =	sadd.s32 s7, s5  }
0xb: {  	v5 =	vor.u32 $0x90, v0;
	v6 =	vor.u32 $0x20, v0;
	v7 =	vor.u32 $0x30, v0;
	s5 =	sadd.s32 $0x9000, s5;
	s10 =	ssub.s32 s8, s31;
	s7 =	sadd.s32 $0x1000, s9  }
0xc: {  	v8 =	vor.u32 $0x40, v0;
	v9 =	vor.u32 $0x50, v0;
	v10 =	vor.u32 $0x60, v0;
	s8 =	sadd.s32 $0x5000, s9;
	s15 =	sadd.s32 $0x310, s14;
	s9 =	smax.u32 s10, $0x1  }
0xd: {  	v11 =	vor.u32 $0x70, v0;
	s10 =	simm.s32 $0x4;
	v1 =	vmov s14;
	s14 =	simm.s32 $0x2100;
	v2 =	vmov s15;
	s15 =	simm.s32 $0x2080  }
.LBB2_12:
0xe: {  	s25 =	sadd.s32 $0x1, s25  }
0xf: {  	p0 =	sne.s32 s25, s9  }
.Ltmp1:
0x10: {  	_ = 	snop;
	(pc) =	sbr.rel @!p0 .LBB2_13-.Ltmp1, $1  }
0x11: {  	_ =	sdelay $0x3  }
.LBB2_1:
0x12: {  	[tilespmem:s2], [sflag:$0x4] =	stream.linear.gather [hbm4b:s7+s2], $0x1000, $0x38;
	[tilespmem:$0x5300] =	vst v63  }
0x13: {  	_ =	swait.ge [sflag:s10], $0x1000  }
0x14: {  	[sflag:s10] =	ssyncset.done $0x0  }
0x15: {  	[sflag:s10] =	ssyncadd.s32 $0xFFFFF000  }
0x16: {  	[tilespmem:s11], [sflag:$0x4] =	stream.linear.gather [hbm4b:s8+s2], $0x1000, $0x38;
	[tilespmem:$0x5300] =	vst v63  }
0x17: {  	_ =	swait.ge [sflag:s10], $0x1000  }
0x18: {  	[sflag:s10] =	ssyncset.done $0x0  }
0x19: {  	[sflag:s10] =	ssyncadd.s32 $0xFFFFF000  }
0x1a: {  	v13 =	vld.idx.msk [tilespmem:v0+s2+$0x0], $0xffff;
	_ =	sdelay $0x4  }
0x1b: {  	v13 =	vadd.s32 v1, v13  }
0x1c: {  	[tilespmem:$0x2000] =	vst v13  }
0x1d: {  	v13 =	vld.idx.msk [tilespmem:v3+s2+$0x0], $0xffff;
	_ =	sdelay $0x4  }
0x1e: {  	v13 =	vadd.s32 v1, v13  }
0x1f: {  	s0 =	simm.s32 $0x2000;
	[tilespmem:$0x2010] =	vst v13  }
0x20: {  	[tilespmem:s14], [sflag:$0x1] =	stream.indirect.gather [hbm4b:s3+s12], $0x80, s0, s12, $0xb8;
	[tilespmem:$0x5300] =	vst v63  }
0x21: {  	v13 =	vld.idx.msk [tilespmem:v4+s2+$0x0], $0xffff;
	_ =	sdelay $0x4  }
0x22: {  	v13 =	vadd.s32 v2, v13  }
0x23: {  	[tilespmem:$0x2080] =	vst v13  }
0x24: {  	v13 =	vld.idx.msk [tilespmem:v5+s2+$0x0], $0xffff;
	_ =	sdelay $0x4  }
0x25: {  	v13 =	vadd.s32 v2, v13  }
0x26: {  	s26 =	simm.s32 $0x0;
	[tilespmem:$0x2090] =	vst v13  }
0x27: {  	[tilespmem:s16], [sflag:$0x2] =	stream.indirect.gather [hbm4b:s3+s12], $0x80, s15, s12, $0xb8;
	[tilespmem:$0x5300] =	vst v63  }
.LBB2_2:
0x28: {  	s29 =	sshll.u32 s26, $0x8  }
0x29: {  	v13 =	vor.u32 s29, v0;
	_ =	sdelay $0x1  }
0x2a: {  	_ =	swait.ge [sflag:s17], $0x1000  }
0x2b: {  	[sflag:s17] =	ssyncset.done $0x0  }
0x2c: {  	[sflag:s17] =	ssyncadd.s32 $0xFFFFF000  }
0x2d: {  	v13 =	vld.idx.msk [tilespmem:v13+s11+$0x0], $0xffff  }
0x2e: {  	v14 =	vor.u32 s29, v3;
	_ =	sdelay $0x3  }
0x2f: {  	[tilespmem:$0x4100] =	vst v13  }
0x30: {  	v14 =	vld.idx.msk [tilespmem:v14+s11+$0x0], $0xffff;
	_ =	sdelay $0x4  }
0x31: {  	s28 =	sshll.u32 s26, $0x1;
	v13 =	vmov s29;
	s29 =	simm.s32 $0x0;
	[tilespmem:$0x4110] =	vst v14  }
.LBB2_3:
0x32: {  	v14 =	vld [tilespmem:$0x4100]  }
0x33: {  	v15 =	vld [tilespmem:$0x4110];
	_ =	sdelay $0x4  }
0x34: {  	v16 =	vmax.f32 v14, v15  }
0x35: {  	(xrf0) =	vmax.scan.msk.f32 $0xffff, v16;
	_ =	sdelay $0x5  }
0x36: {  	v16, _, _ =	vpop (xrf0)  }
0x37: {  	v19 =	vbroadcast v16, $0xF;
	_ =	sdelay $0x1  }
0x38: {  	vm0 =	veq.f32 v14, v19  }
0x39: {  	vm7 =	veq.f32 v15, v19;
	v14 =	vmctz.xlane vm0  }
0x3a: {  	v15 =	vmctz.xlane vm7  }
0x3b: {  	v14 =	vxor.u32 $0x80000000, v14  }
0x3c: {  	(xrf0) =	vmin.scan.msk.u32 $0xffff, v14;
	v14 =	vxor.u32 $0x80000000, v15  }
0x3d: {  	(xrf0) =	vmin.scan.msk.u32 $0xffff, v14;
	_ =	sdelay $0x4  }
0x3e: {  	v14, _, _ =	vpop (xrf0)  }
0x3f: {  	(v2sf) =	vpush v14, $0xF;
	v14, _, _ =	vpop (xrf0)  }
0x40: {  	(v2sf) =	vpush v14, $0xF;
	_ =	sdelay $0xd  }
0x41: {  	s30 =	spop (v2sf)  }
0x42: {  	s30 =	sxor.u32 $0x80000000, s30;
	s31 =	spop (v2sf)  }
0x43: {  	p0 =	slt.s32 s30, $0x10;
	s31 =	sadd.s32 $0x80000010, s31  }
0x44: {  	s31 =	smov.u32 @p0 s30  }
0x45: {  	v14 =	vmov s31  }
0x46: {  	v20 =	vshll.u32 v14, $0x7  }
0x47: {  	v15 =	vor.u32 v0, v20;
	_ =	sdelay $0x2  }
0x48: {  	v35 =	vor.u32 v3, v20;
	_ =	sdelay $0x1  }
0x49: {  	v21 =	vld.idx.msk [tilespmem:v15+s14+$0x0], $0xffff  }
0x4a: {  	v17 =	vor.u32 v6, v20;
	_ =	sdelay $0x1  }
0x4b: {  	v18 =	vor.u32 v7, v20;
	v22 =	vld.idx.msk [tilespmem:v35+s14+$0x0], $0xffff;
	_ =	sdelay $0x1  }
0x4c: {  	vm8 =	veq.f32 v21, v19  }
0x4d: {  	v25 =	vor.u32 v8, v20;
	v23 =	vld.idx.msk [tilespmem:v17+s14+$0x0], $0xffff;
	v24 =	vmctz.xlane vm8;
	_ =	sdelay $0x1  }
0x4e: {  	v37 =	vor.u32 v9, v20;
	v36 =	vld.idx.msk [tilespmem:v18+s14+$0x0], $0xffff;
	vm9 =	veq.f32 v22, v19;
	v24 =	vxor.u32 $0x80000000, v24  }
0x4f: {  	v38 =	vmctz.xlane vm9;
	(xrf0) =	vmin.scan.msk.u32 $0xffff, v24;
	_ =	sdelay $0x1  }
0x50: {  	v27 =	vor.u32 v10, v20;
	v26 =	vld.idx.msk [tilespmem:v25+s14+$0x0], $0xffff;
	vm10 =	veq.f32 v23, v19;
	v39 =	vxor.u32 $0x80000000, v38  }
0x51: {  	v42 =	vor.u32 v11, v20;
	v23 =	vmctz.xlane vm10;
	(xrf0) =	vmin.scan.msk.u32 $0xffff, v39  }
0x52: {  	v44 =	vld.idx.msk [tilespmem:v37+s14+$0x0], $0xffff;
	vm11 =	veq.f32 v36, v19  }
0x53: {  	v40 =	vmctz.xlane vm11;
	v41 =	vxor.u32 $0x80000000, v23  }
0x54: {  	(xrf0) =	vmin.scan.msk.u32 $0xffff, v41;
	v45, _, _ =	vpop (xrf0)  }
0x55: {  	v46 =	vld.idx.msk [tilespmem:v27+s14+$0x0], $0xffff;
	vm12 =	veq.f32 v26, v19;
	v43 =	vxor.u32 $0x80000000, v40;
	(v2sf) =	vpush v45, $0xF  }
0x56: {  	v28 =	vld.idx.msk [tilespmem:v42+s14+$0x0], $0xffff;
	v26 =	vmctz.xlane vm12;
	(xrf0) =	vmin.scan.msk.u32 $0xffff, v43  }
0x57: {  	vm13 =	veq.f32 v44, v19;
	v29, _, _ =	vpop (xrf0)  }
0x58: {  	v48 =	vmctz.xlane vm13;
	v26 =	vxor.u32 $0x80000000, v26;
	(v2sf) =	vpush v29, $0xF  }
0x59: {  	v52 =	vmov s29;
	(xrf0) =	vmin.scan.msk.u32 $0xffff, v26  }
0x5a: {  	v51 =	vand.u32 $0xFFFFFF80, v14;
	vm14 =	veq.f32 v46, v19;
	v50 =	vxor.u32 $0x80000000, v48;
	v47, _, _ =	vpop (xrf0)  }
0x5b: {  	vm15 =	veq.f32 v28, v19;
	v21 =	vmctz.xlane vm14;
	(xrf0) =	vmin.scan.msk.u32 $0xffff, v50;
	(v2sf) =	vpush v47, $0xF  }
0x5c: {  	v53 =	vand.u32 $0x7F, v14;
	v54 =	vmctz.xlane vm15;
	v24 =	vadd.s32 v13, v51;
	v49, _, _ =	vpop (xrf0)  }
0x5d: {  	v21 =	vxor.u32 $0x80000000, v21;
	v24 =	vor.u32 v53, v24;
	(v2sf) =	vpush v49, $0xF  }
0x5e: {  	(xrf0) =	vmin.scan.msk.u32 $0xffff, v21  }
0x5f: {  	v28 =	vxor.u32 $0x80000000, v54;
	v55, _, _ =	vpop (xrf0)  }
0x60: {  	(xrf0) =	vmin.scan.msk.u32 $0xffff, v28;
	(v2sf) =	vpush v55, $0xF  }
0x61: {  	[tilespmem:v52+s18+$0x0] =	vst.idx.msk $0x1, v19;
	v56, _, _ =	vpop (xrf0)  }
0x62: {  	v19 =	vld.idx.msk [tilespmem:v24+s2+$0x0], $0xffff;
	(v2sf) =	vpush v56, $0xF;
	_ =	sdelay $0x1  }
0x63: {  	v57, _, _ =	vpop (xrf0);
	s1 =	spop (v2sf)  }
0x64: {  	(v2sf) =	vpush v57, $0xF;
	s30 =	sxor.u32 $0x80000000, s1  }
0x65: {  	v58, _, _ =	vpop (xrf0);
	p1 =	slt.s32 s30, $0x100000  }
0x66: {  	v19 =	vxor.u32 $0x80000000, v19;
	s13 =	spop (v2sf);
	(v2sf) =	vpush v58, $0xF;
	p0 =	slt.s32 s30, $0x10;
	s30 =	simm.s32 @!p1 $0x100000  }
0x67: {  	(xrf0) =	vmax.scan.msk.u32 $0xffff, v19;
	s0 =	sadd.s32 $0x80000010, s13;
	s30 =	simm.s32 @!p0 $0x100000  }
0x68: {  	p0 =	slt.s32 s30, s0  }
0x69: {  	s1 =	spop (v2sf);
	p1 =	slt.u32 s13, $0x80000010;
	s0 =	smov.u32 @p0 s30  }
0x6a: {  	p0 =	slt.u32 s1, $0x80000010;
	s30 =	smov.u32 @p1 s0;
	s0 =	sadd.s32 $0x80000020, s1  }
0x6b: {  	s13 =	spop (v2sf);
	s0 =	simm.s32 @!p0 $0x100000  }
0x6c: {  	s31 =	sadd.s32 $0x80000030, s13;
	p1 =	slt.u32 s13, $0x80000010;
	p0 =	slt.s32 s30, s0  }
0x6d: {  	v19, _, _ =	vpop (xrf0);
	s31 =	simm.s32 @!p1 $0x100000;
	s0 =	smov.u32 @p0 s30  }
0x6e: {  	(v2sf) =	vpush v19, $0xF;
	s1 =	spop (v2sf);
	p0 =	slt.s32 s0, s31  }
0x6f: {  	s31 =	smov.u32 @p0 s0;
	p0 =	slt.u32 s1, $0x80000010;
	s0 =	sadd.s32 $0x80000040, s1  }
0x70: {  	s13 =	spop (v2sf);
	s0 =	simm.s32 @!p0 $0x100000  }
0x71: {  	p1 =	slt.u32 s13, $0x80000010;
	s30 =	sadd.s32 $0x80000050, s13;
	p0 =	slt.s32 s31, s0  }
0x72: {  	s30 =	simm.s32 @!p1 $0x100000;
	s0 =	smov.u32 @p0 s31  }
0x73: {  	s1 =	spop (v2sf);
	p0 =	slt.s32 s0, s30  }
0x74: {  	s30 =	smov.u32 @p0 s0;
	p0 =	slt.u32 s1, $0x80000010;
	s0 =	sadd.s32 $0x80000060, s1  }
0x75: {  	s13 =	spop (v2sf);
	s0 =	simm.s32 @!p0 $0x100000  }
0x76: {  	p1 =	slt.u32 s13, $0x80000010;
	s31 =	sadd.s32 $0x80000070, s13;
	p0 =	slt.s32 s30, s0  }
0x77: {  	s31 =	simm.s32 @!p1 $0x100000;
	s0 =	smov.u32 @p0 s30  }
0x78: {  	p0 =	slt.s32 s0, s31  }
0x79: {  	s31 =	smov.u32 @p0 s0  }
0x7a: {  	v59 =	vmov s31  }
0x7b: {  	v60 =	vand.u32 $0xFFFFFF80, v59  }
0x7c: {  	v19 =	vand.u32 $0x7F, v59;
	v20 =	vadd.s32 v20, v60  }
0x7d: {  	s30 =	spop (v2sf);
	v19 =	vor.u32 v19, v20  }
0x7e: {  	s0 =	sshll.u32 s30, $0x7  }
0x7f: {  	s0 =	sadd.s32 s31, s0  }
0x80: {  	v61 =	vmov s0  }
0x81: {  	[tilespmem:v52+s19+$0x0] =	vst.idx.msk $0x1, v61  }
0x82: {  	[tilespmem:v19+s14+$0x0] =	vst.idx.msk $0x1, v12  }
0x83: {  	v15 =	vld.idx.msk [tilespmem:v15+s14+$0x0], $0xffff  }
0x84: {  	v16 =	vld.idx.msk [tilespmem:v35+s14+$0x0], $0xffff  }
0x85: {  	v17 =	vld.idx.msk [tilespmem:v17+s14+$0x0], $0xffff  }
0x86: {  	v18 =	vld.idx.msk [tilespmem:v18+s14+$0x0], $0xffff  }
0x87: {  	v19 =	vld.idx.msk [tilespmem:v25+s14+$0x0], $0xffff  }
0x88: {  	v20 =	vld.idx.msk [tilespmem:v37+s14+$0x0], $0xffff;
	v15 =	vmax.f32 v15, $-3.000000010e+38  }
0x89: {  	v62 =	vld.idx.msk [tilespmem:v27+s14+$0x0], $0xffff;
	v15 =	vmax.f32 v15, v16  }
0x8a: {  	v63 =	vld.idx.msk [tilespmem:v42+s14+$0x0], $0xffff;
	v15 =	vmax.f32 v15, v17  }
0x8b: {  	v15 =	vmax.f32 v15, v18  }
0x8c: {  	v15 =	vmax.f32 v15, v19  }
0x8d: {  	v15 =	vmax.f32 v15, v20  }
0x8e: {  	v15 =	vmax.f32 v15, v62  }
0x8f: {  	v15 =	vmax.f32 v15, v63  }
0x90: {  	(xrf0) =	vmax.scan.msk.f32 $0xffff, v15;
	_ =	sdelay $0x3  }
0x91: {  	p0 =	sne.s32 s29, $0x1F  }
.Ltmp2:
0x92: {  	_ = 	snop;
	(pc) =	sbr.rel @p0 .LBB2_3-.Ltmp2, $3  }
0x93: {  	v15, _, _ =	vpop (xrf0)  }
0x94: {  	v15 =	vbroadcast v15, $0xF;
	_ =	sdelay $0x1  }
0x95: {  	s29 =	sadd.s32 $0x1, s29;
	[tilespmem:v14+s20+$0x0] =	vst.idx.msk $0x1, v15  }
0x96: {  	v13 =	vld [tilespmem:$0x4180]  }
0x97: {  	v14 =	vld [tilespmem:$0x4190];
	_ =	sdelay $0x4  }
0x98: {  	v15 =	vmax.f32 v13, v14  }
0x99: {  	(xrf0) =	vmax.scan.msk.f32 $0xffff, v15;
	_ =	sdelay $0x5  }
0x9a: {  	v15, _, _ =	vpop (xrf0)  }
0x9b: {  	v15 =	vbroadcast v15, $0xF;
	_ =	sdelay $0x1  }
0x9c: {  	v13 =	vsub.f32 v13, v15  }
0x9d: {  	v14 =	vsub.f32 v14, v15  }
0x9e: {  	v13 =	vmul.f32 $1.000000000e+01, v13  }
0x9f: {  	v14 =	vmul.f32 $1.000000000e+01, v14  }
0xa0: {  	v13 =	vmul.f32 $1.442695020e+00, v13  }
0xa1: {  	v14 =	vmul.f32 $1.442695020e+00, v14  }
0xa2: {  	(erf) = vpow2.f32 v13  }
0xa3: {  	(erf) = vpow2.f32 v14;
	_ =	sdelay $0x7  }
0xa4: {  	v13 =	vpop (erf)  }
0xa5: {  	v14 =	vpop (erf);
	(xrf2) =	vadd.scan.msk.f32 $0xffff, v13  }
0xa6: {  	(xrf2) =	vadd.scan.msk.f32 $0xffff, v14;
	_ =	sdelay $0x8  }
0xa7: {  	v15, _, _ =	vpop (xrf2)  }
0xa8: {  	(v2sf) =	vpush v15, $0xF;
	v15, _, _ =	vpop (xrf2)  }
0xa9: {  	(v2sf) =	vpush v15, $0xF;
	_ =	sdelay $0xd  }
0xaa: {  	s0 =	spop (v2sf)  }
0xab: {  	s29 =	spop (v2sf)  }
0xac: {  	s0 =	sadd.f32 s29, s0;
	_ =	sdelay $0x1  }
0xad: {  	v15 =	vmov s0  }
0xae: {  	(erf) = vrcp.f32 v15;
	_ =	sdelay $0x8  }
0xaf: {  	v15 =	vpop (erf)  }
0xb0: {  	v13 =	vmul.f32 v15, v13  }
0xb1: {  	v14 =	vmul.f32 v15, v14  }
0xb2: {  	[tilespmem:$0x4180] =	vst v13  }
0xb3: {  	[tilespmem:$0x4190] =	vst v14  }
0xb4: {  	[tilespmem:s21], [sflag:$0x3] =	stream.indirect.gather [hbm4b:s4+s12], $0x80, s19, s12, $0xb8;
	[tilespmem:$0x5300] =	vst v63  }
0xb5: {  	_ =	swait.ge [sflag:s22], $0x1000  }
0xb6: {  	s30 =	simm.s32 $0x0;
	[sflag:s22] =	ssyncset.done $0x0  }
0xb7: {  	v13 =	vimm.f32 $0.0e+00;
	v14 =	vmov s30;
	[sflag:s22] =	ssyncadd.s32 $0xFFFFF000  }
0xb8: {  	[tilespmem:$0x5280] =	vst v13  }
0xb9: {  	[tilespmem:$0x5290] =	vst v13  }
0xba: {  	[tilespmem:$0x52A0] =	vst v13  }
0xbb: {  	[tilespmem:$0x52B0] =	vst v13  }
0xbc: {  	v15 =	vld.idx.msk [tilespmem:v14+s18+$0x0], $0xffff;
	_ =	sdelay $0x2  }
0xbd: {  	v16 =	vshll.u32 v14, $0x7  }
0xbe: {  	v14 =	vor.u32 v0, v16  }
0xbf: {  	(xrf0) =	vmax.scan.msk.f32 $0xffff, v15;
	_ =	sdelay $0x3  }
0xc0: {  	v14 =	vld.idx.msk [tilespmem:v14+s21+$0x0], $0xffff;
	_ =	sdelay $0x1  }
0xc1: {  	v15, _, _ =	vpop (xrf0)  }
0xc2: {  	v19 =	vbroadcast v15, $0xF;
	_ =	sdelay $0x1  }
0xc3: {  	v15 =	vor.u32 v3, v16;
	v14 =	vmul.f32 v19, v14;
	_ =	sdelay $0x1  }
0xc4: {  	v14 =	vadd.f32 v14, v13;
	_ =	sdelay $0x1  }
0xc5: {  	[tilespmem:$0x5280] =	vst v14  }
0xc6: {  	v15 =	vld.idx.msk [tilespmem:v15+s21+$0x0], $0xffff;
	_ =	sdelay $0x4  }
0xc7: {  	v17 =	vor.u32 v6, v16;
	v15 =	vmul.f32 v15, v19;
	_ =	sdelay $0x1  }
0xc8: {  	v15 =	vadd.f32 v15, v13;
	_ =	sdelay $0x1  }
0xc9: {  	[tilespmem:$0x5290] =	vst v15  }
0xca: {  	v17 =	vld.idx.msk [tilespmem:v17+s21+$0x0], $0xffff;
	_ =	sdelay $0x4  }
0xcb: {  	v18 =	vor.u32 v7, v16;
	v17 =	vmul.f32 v17, v19;
	_ =	sdelay $0x1  }
0xcc: {  	v16 =	vadd.f32 v17, v13;
	_ =	sdelay $0x1  }
0xcd: {  	[tilespmem:$0x52A0] =	vst v16  }
0xce: {  	v20 =	vld.idx.msk [tilespmem:v18+s21+$0x0], $0xffff;
	_ =	sdelay $0x2  }
0xcf: {  	s31 =	simm.s32 $0x1  }
0xd0: {  	v18 =	vmov s31  }
0xd1: {  	s29 =	simm.s32 $0x2;
	v17 =	vshll.u32 v18, $0x7;
	v19 =	vmul.f32 v20, v19  }
.LBB2_5:
0xd2: {  	p0 =	sne.s32 s29, $0x1F;
	v20 =	vor.u32 v0, v17  }
0xd3: {  	v13 =	vadd.f32 v19, v13;
	_ =	sdelay $0x1  }
0xd4: {  	[tilespmem:$0x52B0] =	vst v13  }
0xd5: {  	v18 =	vld.idx.msk [tilespmem:v18+s18+$0x0], $0xffff  }
0xd6: {  	v19 =	vld.idx.msk [tilespmem:v20+s21+$0x0], $0xffff;
	_ =	sdelay $0x4  }
0xd7: {  	(xrf0) =	vmax.scan.msk.f32 $0xffff, v18;
	_ =	sdelay $0x5  }
0xd8: {  	v18, _, _ =	vpop (xrf0)  }
0xd9: {  	v20 =	vbroadcast v18, $0xF;
	_ =	sdelay $0x1  }
0xda: {  	v18 =	vmul.f32 v20, v19;
	v19 =	vor.u32 v3, v17;
	_ =	sdelay $0x1  }
0xdb: {  	v14 =	vadd.f32 v18, v14;
	_ =	sdelay $0x1  }
0xdc: {  	[tilespmem:$0x5280] =	vst v14  }
0xdd: {  	v18 =	vld.idx.msk [tilespmem:v19+s21+$0x0], $0xffff;
	_ =	sdelay $0x5  }
0xde: {  	v19 =	vor.u32 v6, v17;
	v18 =	vmul.f32 v18, v20;
	_ =	sdelay $0x1  }
0xdf: {  	v15 =	vadd.f32 v18, v15;
	_ =	sdelay $0x1  }
0xe0: {  	[tilespmem:$0x5290] =	vst v15  }
0xe1: {  	v18 =	vld.idx.msk [tilespmem:v19+s21+$0x0], $0xffff;
	_ =	sdelay $0x5  }
0xe2: {  	v17 =	vor.u32 v7, v17;
	v18 =	vmul.f32 v18, v20;
	_ =	sdelay $0x1  }
0xe3: {  	v16 =	vadd.f32 v18, v16;
	_ =	sdelay $0x1  }
0xe4: {  	[tilespmem:$0x52A0] =	vst v16  }
0xe5: {  	v19 =	vld.idx.msk [tilespmem:v17+s21+$0x0], $0xffff;
	_ =	sdelay $0x1  }
.Ltmp3:
0xe6: {  	(pc) =	sbr.rel @p0 .LBB2_5-.Ltmp3, $3  }
0xe7: {  	_ =	sdelay $0x1  }
0xe8: {  	v18 =	vmov s29  }
0xe9: {  	s29 =	sadd.s32 $0x1, s29;
	v17 =	vshll.u32 v18, $0x7;
	v19 =	vmul.f32 v19, v20  }
0xea: {  	_ = 	snop  }
0xeb: {  	v13 =	vadd.f32 v19, v13;
	_ =	sdelay $0x1  }
0xec: {  	[tilespmem:$0x52B0] =	vst v13  }
0xed: {  	v18 =	vld.idx.msk [tilespmem:v18+s18+$0x0], $0xffff;
	_ =	sdelay $0x3  }
0xee: {  	v60 =	vor.u32 v0, v17  }
0xef: {  	(xrf0) =	vmax.scan.msk.f32 $0xffff, v18;
	_ =	sdelay $0x3  }
0xf0: {  	v61 =	vld.idx.msk [tilespmem:v60+s21+$0x0], $0xffff;
	_ =	sdelay $0x1  }
0xf1: {  	v62, _, _ =	vpop (xrf0)  }
0xf2: {  	v19 =	vbroadcast v62, $0xF;
	_ =	sdelay $0x1  }
0xf3: {  	v20 =	vor.u32 v3, v17;
	v18 =	vmul.f32 v19, v61;
	_ =	sdelay $0x1  }
0xf4: {  	v14 =	vadd.f32 v18, v14;
	_ =	sdelay $0x1  }
0xf5: {  	[tilespmem:$0x5280] =	vst v14  }
0xf6: {  	v14 =	vld.idx.msk [tilespmem:v20+s21+$0x0], $0xffff;
	_ =	sdelay $0x4  }
0xf7: {  	v63 =	vor.u32 v6, v17;
	v14 =	vmul.f32 v14, v19;
	_ =	sdelay $0x1  }
0xf8: {  	v14 =	vadd.f32 v14, v15;
	_ =	sdelay $0x1  }
0xf9: {  	[tilespmem:$0x5290] =	vst v14  }
0xfa: {  	v14 =	vld.idx.msk [tilespmem:v63+s21+$0x0], $0xffff;
	_ =	sdelay $0x4  }
0xfb: {  	v15 =	vor.u32 v7, v17;
	v14 =	vmul.f32 v14, v19;
	_ =	sdelay $0x1  }
0xfc: {  	v14 =	vadd.f32 v14, v16;
	_ =	sdelay $0x1  }
0xfd: {  	[tilespmem:$0x52A0] =	vst v14  }
0xfe: {  	v14 =	vld.idx.msk [tilespmem:v15+s21+$0x0], $0xffff;
	_ =	sdelay $0x4  }
0xff: {  	v14 =	vmul.f32 v14, v19  }
0x100: {  	s0 =	sadd.s32 s6, s28;
	s29 =	sshll.u32 s26, $0x5;
	p0 =	seq.s32 s26, $0xF  }
0x101: {  	s0 =	sshll.u32 s0, $0x4;
	s30 =	sand.u32 $0x60, s29;
	s31 =	sadd.s32 @!p0 $0x2, s28;
	v13 =	vadd.f32 v14, v13  }
0x102: {  	s29 =	sand.u32 $0xFFFFF80, s0;
	s13 =	sadd.s32 s5, s30;
	s30 =	sshll.u32 @!p0 s31, $0x7;
	v14 =	vlaneseq.u32 @!p0  }
0x103: {  	s0 =	sadd.s32 s29, s13;
	[tilespmem:$0x52B0] =	vst v13;
	v13 =	vor.u32 @!p0 s30, v14  }
0x104: {  	[hbm4b:s0+s2] =	stream.linear.scatter [tilespmem:s23], [sflag:$0x4], $0x80, $0x38;
	[tilespmem:$0x5300] =	vst v63  }
0x105: {  	_ =	swait.ge [sflag:s10], $0x80  }
0x106: {  	[sflag:s10] =	ssyncset.done $0x0  }
0x107: {  	s0 =	simm.s32 @!p0 $0x0;
	[sflag:s10] =	ssyncadd.s32 $0xFFFFFF80  }
0x108: {  	v13 =	vld.idx.msk @!p0 [tilespmem:v13+s0+$0x0], $0xffff  }
0x109: {  	v14 =	vor.u32 @!p0 $0x10, v14  }
0x10a: {  	s31 =	sadd.s32 @!p0 s6, s31;
	v14 =	vor.u32 @!p0 s30, v14  }
0x10b: {  	s31 =	smul.u32 @!p0 $0x310, s31;
	_ =	sdelay $0x1  }
0x10c: {  	v13 =	vadd.s32 @!p0 s31, v13  }
0x10d: {  	[tilespmem:$0x2000] =	vst @!p0 v13  }
0x10e: {  	v13 =	vld.idx.msk @!p0 [tilespmem:v14+s0+$0x0], $0xffff;
	_ =	sdelay $0x3  }
0x10f: {  	s30 =	sor.u32 $0x1, s28  }
0x110: {  	s0 =	sshll.u32 s30, $0x7;
	v13 =	vadd.s32 @!p0 s31, v13  }
0x111: {  	s1 =	simm.s32 @!p0 $0x2000;
	s13 =	simm.s32 @!p0 $0x2100;
	s31 =	simm.s32 @!p0 $0x20;
	[tilespmem:$0x2010] =	vst @!p0 v13;
	v13 =	vor.u32 s0, v0  }
0x112: {  	[tilespmem:s13], [sflag:$0x1] =	stream.indirect.gather @!p0 [hbm4b:s3+s31], $0x80, s1, s31, $0xb8;
	[tilespmem:$0x5300] =	vst v63  }
0x113: {  	_ =	swait.ge [sflag:s24], $0x1000  }
0x114: {  	[sflag:s24] =	ssyncset.done $0x0  }
0x115: {  	[sflag:s24] =	ssyncadd.s32 $0xFFFFF000  }
0x116: {  	v13 =	vld.idx.msk [tilespmem:v13+s11+$0x0], $0xffff  }
0x117: {  	v14 =	vor.u32 s0, v3;
	_ =	sdelay $0x3  }
0x118: {  	[tilespmem:$0x4100] =	vst v13  }
0x119: {  	v14 =	vld.idx.msk [tilespmem:v14+s11+$0x0], $0xffff;
	_ =	sdelay $0x4  }
0x11a: {  	s31 =	simm.s32 $0x0;
	v13 =	vmov s0;
	[tilespmem:$0x4110] =	vst v14  }
.LBB2_7:
0x11b: {  	v14 =	vld [tilespmem:$0x4100]  }
0x11c: {  	v15 =	vld [tilespmem:$0x4110];
	_ =	sdelay $0x4  }
0x11d: {  	v16 =	vmax.f32 v14, v15  }
0x11e: {  	(xrf0) =	vmax.scan.msk.f32 $0xffff, v16;
	_ =	sdelay $0x5  }
0x11f: {  	v16, _, _ =	vpop (xrf0)  }
0x120: {  	v19 =	vbroadcast v16, $0xF;
	_ =	sdelay $0x1  }
0x121: {  	vm0 =	veq.f32 v14, v19  }
0x122: {  	vm7 =	veq.f32 v15, v19;
	v14 =	vmctz.xlane vm0  }
0x123: {  	v15 =	vmctz.xlane vm7  }
0x124: {  	v14 =	vxor.u32 $0x80000000, v14  }
0x125: {  	(xrf0) =	vmin.scan.msk.u32 $0xffff, v14;
	v14 =	vxor.u32 $0x80000000, v15  }
0x126: {  	(xrf0) =	vmin.scan.msk.u32 $0xffff, v14;
	_ =	sdelay $0x4  }
0x127: {  	v14, _, _ =	vpop (xrf0)  }
0x128: {  	(v2sf) =	vpush v14, $0xF;
	v14, _, _ =	vpop (xrf0)  }
0x129: {  	(v2sf) =	vpush v14, $0xF;
	_ =	sdelay $0xd  }
0x12a: {  	s0 =	spop (v2sf)  }
0x12b: {  	s0 =	sxor.u32 $0x80000000, s0;
	s1 =	spop (v2sf)  }
0x12c: {  	p1 =	slt.s32 s0, $0x10;
	s1 =	sadd.s32 $0x80000010, s1  }
0x12d: {  	s1 =	smov.u32 @p1 s0  }
0x12e: {  	v14 =	vmov s1  }
0x12f: {  	v20 =	vshll.u32 v14, $0x7  }
0x130: {  	v15 =	vor.u32 v0, v20;
	_ =	sdelay $0x1  }
0x131: {  	v35 =	vor.u32 v3, v20;
	_ =	sdelay $0x2  }
0x132: {  	v17 =	vor.u32 v6, v20;
	v21 =	vld.idx.msk [tilespmem:v15+s16+$0x0], $0xffff;
	_ =	sdelay $0x1  }
0x133: {  	v18 =	vor.u32 v7, v20;
	v22 =	vld.idx.msk [tilespmem:v35+s16+$0x0], $0xffff;
	_ =	sdelay $0x2  }
0x134: {  	v25 =	vor.u32 v8, v20;
	v23 =	vld.idx.msk [tilespmem:v17+s16+$0x0], $0xffff;
	vm8 =	veq.f32 v21, v19  }
0x135: {  	v24 =	vmctz.xlane vm8  }
0x136: {  	v37 =	vor.u32 v9, v20;
	v36 =	vld.idx.msk [tilespmem:v18+s16+$0x0], $0xffff;
	vm9 =	veq.f32 v22, v19  }
0x137: {  	v38 =	vmctz.xlane vm9;
	v24 =	vxor.u32 $0x80000000, v24  }
0x138: {  	(xrf0) =	vmin.scan.msk.u32 $0xffff, v24  }
0x139: {  	v27 =	vor.u32 v10, v20;
	v26 =	vld.idx.msk [tilespmem:v25+s16+$0x0], $0xffff;
	vm10 =	veq.f32 v23, v19;
	v39 =	vxor.u32 $0x80000000, v38  }
0x13a: {  	v42 =	vor.u32 v11, v20;
	v23 =	vmctz.xlane vm10;
	(xrf0) =	vmin.scan.msk.u32 $0xffff, v39  }
0x13b: {  	v44 =	vld.idx.msk [tilespmem:v37+s16+$0x0], $0xffff;
	vm11 =	veq.f32 v36, v19  }
0x13c: {  	v40 =	vmctz.xlane vm11;
	v41 =	vxor.u32 $0x80000000, v23  }
0x13d: {  	(xrf0) =	vmin.scan.msk.u32 $0xffff, v41  }
0x13e: {  	v46 =	vld.idx.msk [tilespmem:v27+s16+$0x0], $0xffff;
	vm12 =	veq.f32 v26, v19;
	v43 =	vxor.u32 $0x80000000, v40;
	v45, _, _ =	vpop (xrf0)  }
0x13f: {  	v28 =	vld.idx.msk [tilespmem:v42+s16+$0x0], $0xffff;
	v26 =	vmctz.xlane vm12;
	(xrf0) =	vmin.scan.msk.u32 $0xffff, v43;
	(v2sf) =	vpush v45, $0xF  }
0x140: {  	vm13 =	veq.f32 v44, v19;
	v29, _, _ =	vpop (xrf0)  }
0x141: {  	v48 =	vmctz.xlane vm13;
	v26 =	vxor.u32 $0x80000000, v26;
	(v2sf) =	vpush v29, $0xF  }
0x142: {  	v52 =	vmov s31;
	(xrf0) =	vmin.scan.msk.u32 $0xffff, v26  }
0x143: {  	v51 =	vand.u32 $0xFFFFFF80, v14;
	vm14 =	veq.f32 v46, v19;
	v50 =	vxor.u32 $0x80000000, v48;
	v47, _, _ =	vpop (xrf0)  }
0x144: {  	vm15 =	veq.f32 v28, v19;
	v21 =	vmctz.xlane vm14;
	(xrf0) =	vmin.scan.msk.u32 $0xffff, v50;
	(v2sf) =	vpush v47, $0xF  }
0x145: {  	v53 =	vand.u32 $0x7F, v14;
	v54 =	vmctz.xlane vm15;
	v24 =	vadd.s32 v13, v51;
	v49, _, _ =	vpop (xrf0)  }
0x146: {  	v21 =	vxor.u32 $0x80000000, v21;
	v24 =	vor.u32 v53, v24;
	(v2sf) =	vpush v49, $0xF  }
0x147: {  	(xrf0) =	vmin.scan.msk.u32 $0xffff, v21  }
0x148: {  	v28 =	vxor.u32 $0x80000000, v54;
	v55, _, _ =	vpop (xrf0)  }
0x149: {  	(xrf0) =	vmin.scan.msk.u32 $0xffff, v28;
	(v2sf) =	vpush v55, $0xF  }
0x14a: {  	[tilespmem:v52+s18+$0x0] =	vst.idx.msk $0x1, v19;
	v56, _, _ =	vpop (xrf0)  }
0x14b: {  	v19 =	vld.idx.msk [tilespmem:v24+s2+$0x0], $0xffff;
	(v2sf) =	vpush v56, $0xF;
	_ =	sdelay $0x1  }
0x14c: {  	v57, _, _ =	vpop (xrf0)  }
0x14d: {  	s13 =	spop (v2sf);
	(v2sf) =	vpush v57, $0xF  }
0x14e: {  	v58, _, _ =	vpop (xrf0);
	s0 =	sxor.u32 $0x80000000, s13  }
0x14f: {  	v19 =	vxor.u32 $0x80000000, v19;
	s1 =	spop (v2sf);
	(v2sf) =	vpush v58, $0xF;
	p2 =	slt.s32 s0, $0x100000  }
0x150: {  	(xrf0) =	vmax.scan.msk.u32 $0xffff, v19;
	p1 =	slt.s32 s0, $0x10;
	s0 =	simm.s32 @!p2 $0x100000  }
0x151: {  	s13 =	sadd.s32 $0x80000010, s1;
	s0 =	simm.s32 @!p1 $0x100000  }
0x152: {  	p2 =	slt.u32 s1, $0x80000010;
	s1 =	spop (v2sf);
	p1 =	slt.s32 s0, s13  }
0x153: {  	s13 =	smov.u32 @p1 s0;
	p1 =	slt.u32 s1, $0x80000010;
	s1 =	sadd.s32 $0x80000020, s1  }
0x154: {  	s0 =	smov.u32 @p2 s13;
	s13 =	spop (v2sf);
	s1 =	simm.s32 @!p1 $0x100000  }
0x155: {  	p1 =	slt.s32 s0, s1;
	p2 =	slt.u32 s13, $0x80000010;
	s13 =	sadd.s32 $0x80000030, s13  }
0x156: {  	v19, _, _ =	vpop (xrf0);
	s1 =	smov.u32 @p1 s0;
	s13 =	simm.s32 @!p2 $0x100000  }
0x157: {  	(v2sf) =	vpush v19, $0xF;
	s0 =	spop (v2sf);
	p1 =	slt.s32 s1, s13  }
0x158: {  	s13 =	smov.u32 @p1 s1;
	p1 =	slt.u32 s0, $0x80000010;
	s0 =	sadd.s32 $0x80000040, s0  }
0x159: {  	s1 =	spop (v2sf);
	s0 =	simm.s32 @!p1 $0x100000  }
0x15a: {  	p2 =	slt.u32 s1, $0x80000010;
	s1 =	sadd.s32 $0x80000050, s1;
	p1 =	slt.s32 s13, s0  }
0x15b: {  	s1 =	simm.s32 @!p2 $0x100000;
	s0 =	smov.u32 @p1 s13  }
0x15c: {  	s13 =	spop (v2sf);
	p1 =	slt.s32 s0, s1  }
0x15d: {  	s1 =	smov.u32 @p1 s0;
	p1 =	slt.u32 s13, $0x80000010;
	s0 =	sadd.s32 $0x80000060, s13  }
0x15e: {  	s13 =	spop (v2sf);
	s0 =	simm.s32 @!p1 $0x100000  }
0x15f: {  	p2 =	slt.u32 s13, $0x80000010;
	s13 =	sadd.s32 $0x80000070, s13;
	p1 =	slt.s32 s1, s0  }
0x160: {  	s13 =	simm.s32 @!p2 $0x100000;
	s0 =	smov.u32 @p1 s1  }
0x161: {  	p1 =	slt.s32 s0, s13  }
0x162: {  	s13 =	smov.u32 @p1 s0  }
0x163: {  	v59 =	vmov s13  }
0x164: {  	v60 =	vand.u32 $0xFFFFFF80, v59  }
0x165: {  	v19 =	vand.u32 $0x7F, v59;
	v20 =	vadd.s32 v20, v60  }
0x166: {  	s1 =	spop (v2sf);
	v19 =	vor.u32 v19, v20  }
0x167: {  	s0 =	sshll.u32 s1, $0x7  }
0x168: {  	s0 =	sadd.s32 s13, s0  }
0x169: {  	v61 =	vmov s0  }
0x16a: {  	[tilespmem:v52+s19+$0x0] =	vst.idx.msk $0x1, v61  }
0x16b: {  	[tilespmem:v19+s16+$0x0] =	vst.idx.msk $0x1, v12  }
0x16c: {  	v15 =	vld.idx.msk [tilespmem:v15+s16+$0x0], $0xffff  }
0x16d: {  	v16 =	vld.idx.msk [tilespmem:v35+s16+$0x0], $0xffff  }
0x16e: {  	v17 =	vld.idx.msk [tilespmem:v17+s16+$0x0], $0xffff  }
0x16f: {  	v18 =	vld.idx.msk [tilespmem:v18+s16+$0x0], $0xffff  }
0x170: {  	v19 =	vld.idx.msk [tilespmem:v25+s16+$0x0], $0xffff  }
0x171: {  	v20 =	vld.idx.msk [tilespmem:v37+s16+$0x0], $0xffff;
	v15 =	vmax.f32 v15, $-3.000000010e+38  }
0x172: {  	v62 =	vld.idx.msk [tilespmem:v27+s16+$0x0], $0xffff;
	v15 =	vmax.f32 v15, v16  }
0x173: {  	v63 =	vld.idx.msk [tilespmem:v42+s16+$0x0], $0xffff;
	v15 =	vmax.f32 v15, v17  }
0x174: {  	v15 =	vmax.f32 v15, v18  }
0x175: {  	v15 =	vmax.f32 v15, v19  }
0x176: {  	v15 =	vmax.f32 v15, v20  }
0x177: {  	v15 =	vmax.f32 v15, v62  }
0x178: {  	v15 =	vmax.f32 v15, v63  }
0x179: {  	(xrf0) =	vmax.scan.msk.f32 $0xffff, v15;
	_ =	sdelay $0x3  }
0x17a: {  	p1 =	sne.s32 s31, $0x1F  }
.Ltmp4:
0x17b: {  	_ = 	snop;
	(pc) =	sbr.rel @p1 .LBB2_7-.Ltmp4, $3  }
0x17c: {  	v15, _, _ =	vpop (xrf0)  }
0x17d: {  	v15 =	vbroadcast v15, $0xF;
	_ =	sdelay $0x1  }
0x17e: {  	s31 =	sadd.s32 $0x1, s31;
	[tilespmem:v14+s20+$0x0] =	vst.idx.msk $0x1, v15  }
0x17f: {  	v13 =	vld [tilespmem:$0x4180]  }
0x180: {  	v14 =	vld [tilespmem:$0x4190];
	_ =	sdelay $0x4  }
0x181: {  	v15 =	vmax.f32 v13, v14  }
0x182: {  	(xrf0) =	vmax.scan.msk.f32 $0xffff, v15;
	_ =	sdelay $0x5  }
0x183: {  	v15, _, _ =	vpop (xrf0)  }
0x184: {  	v15 =	vbroadcast v15, $0xF;
	_ =	sdelay $0x1  }
0x185: {  	v13 =	vsub.f32 v13, v15  }
0x186: {  	v14 =	vsub.f32 v14, v15  }
0x187: {  	v13 =	vmul.f32 $1.000000000e+01, v13  }
0x188: {  	v14 =	vmul.f32 $1.000000000e+01, v14  }
0x189: {  	v13 =	vmul.f32 $1.442695020e+00, v13  }
0x18a: {  	v14 =	vmul.f32 $1.442695020e+00, v14  }
0x18b: {  	(erf) = vpow2.f32 v13  }
0x18c: {  	(erf) = vpow2.f32 v14;
	_ =	sdelay $0x7  }
0x18d: {  	v13 =	vpop (erf)  }
0x18e: {  	v14 =	vpop (erf);
	(xrf2) =	vadd.scan.msk.f32 $0xffff, v13  }
0x18f: {  	(xrf2) =	vadd.scan.msk.f32 $0xffff, v14;
	_ =	sdelay $0x8  }
0x190: {  	v15, _, _ =	vpop (xrf2)  }
0x191: {  	(v2sf) =	vpush v15, $0xF;
	v15, _, _ =	vpop (xrf2)  }
0x192: {  	(v2sf) =	vpush v15, $0xF;
	_ =	sdelay $0xd  }
0x193: {  	s0 =	spop (v2sf)  }
0x194: {  	s1 =	spop (v2sf)  }
0x195: {  	s0 =	sadd.f32 s1, s0;
	_ =	sdelay $0x1  }
0x196: {  	v15 =	vmov s0  }
0x197: {  	(erf) = vrcp.f32 v15;
	_ =	sdelay $0x8  }
0x198: {  	v15 =	vpop (erf)  }
0x199: {  	v13 =	vmul.f32 v15, v13  }
0x19a: {  	v14 =	vmul.f32 v15, v14  }
0x19b: {  	[tilespmem:$0x4180] =	vst v13  }
0x19c: {  	[tilespmem:$0x4190] =	vst v14  }
0x19d: {  	[tilespmem:s21], [sflag:$0x3] =	stream.indirect.gather [hbm4b:s4+s12], $0x80, s19, s12, $0xb8;
	[tilespmem:$0x5300] =	vst v63  }
0x19e: {  	_ =	swait.ge [sflag:s22], $0x1000  }
0x19f: {  	s1 =	simm.s32 $0x0;
	[sflag:s22] =	ssyncset.done $0x0  }
0x1a0: {  	v13 =	vimm.f32 $0.0e+00;
	v14 =	vmov s1;
	[sflag:s22] =	ssyncadd.s32 $0xFFFFF000  }
0x1a1: {  	[tilespmem:$0x5280] =	vst v13  }
0x1a2: {  	[tilespmem:$0x5290] =	vst v13  }
0x1a3: {  	[tilespmem:$0x52A0] =	vst v13  }
0x1a4: {  	[tilespmem:$0x52B0] =	vst v13  }
0x1a5: {  	v15 =	vld.idx.msk [tilespmem:v14+s18+$0x0], $0xffff;
	_ =	sdelay $0x2  }
0x1a6: {  	v16 =	vshll.u32 v14, $0x7  }
0x1a7: {  	v14 =	vor.u32 v0, v16  }
0x1a8: {  	(xrf0) =	vmax.scan.msk.f32 $0xffff, v15;
	_ =	sdelay $0x3  }
0x1a9: {  	v14 =	vld.idx.msk [tilespmem:v14+s21+$0x0], $0xffff;
	_ =	sdelay $0x1  }
0x1aa: {  	v15, _, _ =	vpop (xrf0)  }
0x1ab: {  	v19 =	vbroadcast v15, $0xF;
	_ =	sdelay $0x1  }
0x1ac: {  	v15 =	vor.u32 v3, v16;
	v14 =	vmul.f32 v19, v14;
	_ =	sdelay $0x1  }
0x1ad: {  	v14 =	vadd.f32 v14, v13;
	_ =	sdelay $0x1  }
0x1ae: {  	[tilespmem:$0x5280] =	vst v14  }
0x1af: {  	v15 =	vld.idx.msk [tilespmem:v15+s21+$0x0], $0xffff;
	_ =	sdelay $0x4  }
0x1b0: {  	v17 =	vor.u32 v6, v16;
	v15 =	vmul.f32 v15, v19;
	_ =	sdelay $0x1  }
0x1b1: {  	v15 =	vadd.f32 v15, v13;
	_ =	sdelay $0x1  }
0x1b2: {  	[tilespmem:$0x5290] =	vst v15  }
0x1b3: {  	v17 =	vld.idx.msk [tilespmem:v17+s21+$0x0], $0xffff;
	_ =	sdelay $0x4  }
0x1b4: {  	v18 =	vor.u32 v7, v16;
	v17 =	vmul.f32 v17, v19;
	_ =	sdelay $0x1  }
0x1b5: {  	v16 =	vadd.f32 v17, v13;
	_ =	sdelay $0x1  }
0x1b6: {  	[tilespmem:$0x52A0] =	vst v16  }
0x1b7: {  	v20 =	vld.idx.msk [tilespmem:v18+s21+$0x0], $0xffff;
	_ =	sdelay $0x2  }
0x1b8: {  	s13 =	simm.s32 $0x1  }
0x1b9: {  	v18 =	vmov s13  }
0x1ba: {  	s31 =	simm.s32 $0x2;
	v17 =	vshll.u32 v18, $0x7;
	v19 =	vmul.f32 v20, v19  }
.LBB2_9:
0x1bb: {  	p1 =	sne.s32 s31, $0x1F;
	v20 =	vor.u32 v0, v17  }
0x1bc: {  	v13 =	vadd.f32 v19, v13;
	_ =	sdelay $0x1  }
0x1bd: {  	[tilespmem:$0x52B0] =	vst v13  }
0x1be: {  	v18 =	vld.idx.msk [tilespmem:v18+s18+$0x0], $0xffff  }
0x1bf: {  	v19 =	vld.idx.msk [tilespmem:v20+s21+$0x0], $0xffff;
	_ =	sdelay $0x4  }
0x1c0: {  	(xrf0) =	vmax.scan.msk.f32 $0xffff, v18;
	_ =	sdelay $0x5  }
0x1c1: {  	v18, _, _ =	vpop (xrf0)  }
0x1c2: {  	v20 =	vbroadcast v18, $0xF;
	_ =	sdelay $0x1  }
0x1c3: {  	v18 =	vmul.f32 v20, v19;
	v19 =	vor.u32 v3, v17;
	_ =	sdelay $0x1  }
0x1c4: {  	v14 =	vadd.f32 v18, v14;
	_ =	sdelay $0x1  }
0x1c5: {  	[tilespmem:$0x5280] =	vst v14  }
0x1c6: {  	v18 =	vld.idx.msk [tilespmem:v19+s21+$0x0], $0xffff;
	_ =	sdelay $0x5  }
0x1c7: {  	v19 =	vor.u32 v6, v17;
	v18 =	vmul.f32 v18, v20;
	_ =	sdelay $0x1  }
0x1c8: {  	v15 =	vadd.f32 v18, v15;
	_ =	sdelay $0x1  }
0x1c9: {  	[tilespmem:$0x5290] =	vst v15  }
0x1ca: {  	v18 =	vld.idx.msk [tilespmem:v19+s21+$0x0], $0xffff;
	_ =	sdelay $0x5  }
0x1cb: {  	v17 =	vor.u32 v7, v17;
	v18 =	vmul.f32 v18, v20;
	_ =	sdelay $0x1  }
0x1cc: {  	v16 =	vadd.f32 v18, v16;
	_ =	sdelay $0x1  }
0x1cd: {  	[tilespmem:$0x52A0] =	vst v16  }
0x1ce: {  	v19 =	vld.idx.msk [tilespmem:v17+s21+$0x0], $0xffff;
	_ =	sdelay $0x1  }
.Ltmp5:
0x1cf: {  	(pc) =	sbr.rel @p1 .LBB2_9-.Ltmp5, $3  }
0x1d0: {  	_ =	sdelay $0x1  }
0x1d1: {  	v18 =	vmov s31  }
0x1d2: {  	s31 =	sadd.s32 $0x1, s31;
	v17 =	vshll.u32 v18, $0x7;
	v19 =	vmul.f32 v19, v20  }
0x1d3: {  	_ = 	snop  }
0x1d4: {  	v13 =	vadd.f32 v19, v13;
	_ =	sdelay $0x1  }
0x1d5: {  	[tilespmem:$0x52B0] =	vst v13  }
0x1d6: {  	v18 =	vld.idx.msk [tilespmem:v18+s18+$0x0], $0xffff;
	_ =	sdelay $0x3  }
0x1d7: {  	v60 =	vor.u32 v0, v17  }
0x1d8: {  	(xrf0) =	vmax.scan.msk.f32 $0xffff, v18;
	_ =	sdelay $0x3  }
0x1d9: {  	v61 =	vld.idx.msk [tilespmem:v60+s21+$0x0], $0xffff;
	_ =	sdelay $0x1  }
0x1da: {  	v62, _, _ =	vpop (xrf0)  }
0x1db: {  	v19 =	vbroadcast v62, $0xF;
	_ =	sdelay $0x1  }
0x1dc: {  	v20 =	vor.u32 v3, v17;
	v18 =	vmul.f32 v19, v61;
	_ =	sdelay $0x1  }
0x1dd: {  	v14 =	vadd.f32 v18, v14;
	_ =	sdelay $0x1  }
0x1de: {  	[tilespmem:$0x5280] =	vst v14  }
0x1df: {  	v14 =	vld.idx.msk [tilespmem:v20+s21+$0x0], $0xffff;
	_ =	sdelay $0x4  }
0x1e0: {  	v63 =	vor.u32 v6, v17;
	v14 =	vmul.f32 v14, v19;
	_ =	sdelay $0x1  }
0x1e1: {  	v14 =	vadd.f32 v14, v15;
	_ =	sdelay $0x1  }
0x1e2: {  	[tilespmem:$0x5290] =	vst v14  }
0x1e3: {  	v14 =	vld.idx.msk [tilespmem:v63+s21+$0x0], $0xffff;
	_ =	sdelay $0x4  }
0x1e4: {  	v15 =	vor.u32 v7, v17;
	v14 =	vmul.f32 v14, v19;
	_ =	sdelay $0x1  }
0x1e5: {  	v14 =	vadd.f32 v14, v16;
	_ =	sdelay $0x1  }
0x1e6: {  	[tilespmem:$0x52A0] =	vst v14  }
0x1e7: {  	v14 =	vld.idx.msk [tilespmem:v15+s21+$0x0], $0xffff;
	_ =	sdelay $0x4  }
0x1e8: {  	v14 =	vmul.f32 v14, v19  }
0x1e9: {  	s0 =	sshll.u32 s30, $0x4  }
0x1ea: {  	s0 =	sand.u32 $0x70, s0;
	v13 =	vadd.f32 v14, v13  }
0x1eb: {  	s0 =	sadd.s32 s5, s0  }
.Ltmp6:
0x1ec: {  	s0 =	sadd.s32 s29, s0;
	[tilespmem:$0x52B0] =	vst v13;
	(pc) =	sbr.rel @p0 .LBB2_12-.Ltmp6, $4  }
0x1ed: {  	[hbm4b:s0+s2] =	stream.linear.scatter [tilespmem:s23], [sflag:$0x4], $0x80, $0x38;
	[tilespmem:$0x5300] =	vst v63  }
0x1ee: {  	_ =	swait.ge [sflag:s10], $0x80  }
0x1ef: {  	[sflag:s10] =	ssyncset.done $0x0  }
0x1f0: {  	[sflag:s10] =	ssyncadd.s32 $0xFFFFFF80  }
0x1f1: {  	s0 =	sadd.s32 $0x3, s28  }
0x1f2: {  	s1 =	sshll.u32 s0, $0x7  }
0x1f3: {  	v13 =	vor.u32 s1, v0;
	_ =	sdelay $0x4  }
0x1f4: {  	v13 =	vld.idx.msk [tilespmem:v13+s2+$0x0], $0xffff;
	_ =	sdelay $0x1  }
0x1f5: {  	s0 =	sadd.s32 s6, s0;
	v14 =	vor.u32 s1, v3  }
0x1f6: {  	s0 =	smul.u32 $0x310, s0;
	_ =	sdelay $0x1  }
0x1f7: {  	v13 =	vadd.s32 s0, v13  }
0x1f8: {  	[tilespmem:$0x2080] =	vst v13  }
0x1f9: {  	v13 =	vld.idx.msk [tilespmem:v14+s2+$0x0], $0xffff;
	_ =	sdelay $0x2  }
.Ltmp7:
0x1fa: {  	_ = 	snop;
	(pc) =	sbr.rel .LBB2_2-.Ltmp7, $4  }
0x1fb: {  	_ = 	snop  }
0x1fc: {  	v13 =	vadd.s32 s0, v13  }
0x1fd: {  	s26 =	sadd.s32 $0x1, s26;
	[tilespmem:$0x2090] =	vst v13  }
0x1fe: {  	[tilespmem:s16], [sflag:$0x2] =	stream.indirect.gather [hbm4b:s3+s12], $0x80, s15, s12, $0xb8;
	[tilespmem:$0x5300] =	vst v63  }
.LBB2_13:
0x1ff: {  	_ =	sfence.sel $0x180000  }
0x200: {  	[bflag:$0x0] =	sbarrier.arrive $0xFFFF  }
0x201: {  	_ =	strace $0x90000047  }
0x202: {  	s0 =	stileid.u32;
	[bflag:$0x2] =	sbarrier.arrive $0xFFFF  }
0x203: {  	p0 =	sne.s32 s0, $0x0;
	s0 =	rddreg [dreg:$0x1]  }
0x204: {  	s0 =	sadd.s32 @!p0 $0x100000, s0  }
0x205: {  	[sflag:s0] =	ssyncadd.tile.s32 @!p0 $0x1;
	_ =	shalt  }
.Lfunc_end2:
_tile_overlayer_lowered:
.L_overlay_start_2:
0x206: {  	(tag) =	ssettag $0x2  }
0x207: {  	s0 =	rddreg [dreg:$0x0];
	s2 =	stileid.u32  }
0x208: {  	s1 =	rddreg [dreg:$0x1];
	p0 =	sne.s32 s2, $0x0  }
0x209: {  	s3 =	rddreg [dreg:$0x2];
	[bflag:$0x3] =	sbarrier.arrive $0xFFFF;
	s2 =	simm.s32 @!p0 $0x1C04  }
0x20a: {  	[timem:s3], [sflag:s2] =	dma.local @!p0 [hbm:s0], s1  }
0x20b: {  	s0 =	simm.s32 @!p0 $0x4  }
0x20c: {  	_ =	swait.ge @!p0 [sflag:s0], s1  }
0x20d: {  	s1 =	ssub.s32 @!p0 $0x0, s1;
	[sflag:s0] =	ssyncset.done @!p0 $0x0  }
0x20e: {  	[sflag:s0] =	ssyncadd.s32 @!p0 s1  }
0x20f: {  	[bflag:$0x3] =	sbarrier.arrive $0xFFFF  }
0x210: {  	_ =	shalt  }

</sc_bundles>
